<compile_context>
chip_gen: v7x
topology: tpu7x:2x2x1
jax: 0.10.2.dev20260603
libtpu: 0.0.44.dev20260713+nightly
codegen_flags: <defaults>
</compile_context>

<pallas_src>
import jax
import jax.numpy as jnp
from jax import lax
from jax.experimental import pallas as pl
from jax.experimental.pallas import tpu as pltpu
from jax.experimental.pallas import tpu_sc as plsc

X_MIN, X_MAX = 0.0, 80.0
Y_MIN, Y_MAX = -40.0, 40.0
Z_MIN, Z_MAX = -2.0, 4.0
INV_STEP = 4.0
D_, H_, W_ = 24, 320, 320
DHW = D_ * H_ * W_
B_, N_ = 4, 200000
BN = B_ * N_
WPB = 8
P = N_ // WPB
ROWS = 196
PPAD = ROWS * 128
DHWP = DHW + WPB * PPAD
ZCHUNK = 8192
ZITERS = 38


GPW = DHW // WPB
PCH = 6144
NCH = GPW // PCH


def _sc_body(pts_hbm, grid_hbm, x_v, y_v, z_v, idx_v, ones_v, zero_v,
             dsem, zsem, ssem):
    cid = lax.axis_index("c")
    sid = lax.axis_index("s")
    batch = cid * 2 + sid // WPB
    slot = sid % WPB
    gpos = batch * N_ + slot * P

    ld_x = pltpu.make_async_copy(pts_hbm.at[pl.ds(gpos, P)],
                                 x_v.at[pl.ds(0, P)], dsem)
    ld_y = pltpu.make_async_copy(pts_hbm.at[pl.ds(BN + gpos, P)],
                                 y_v.at[pl.ds(0, P)], dsem)
    ld_z = pltpu.make_async_copy(pts_hbm.at[pl.ds(2 * BN + gpos, P)],
                                 z_v.at[pl.ds(0, P)], dsem)
    ld_x.start()
    ld_y.start()
    ld_z.start()

    zeros16 = jnp.zeros((16,), jnp.int32)

    def _init_z(i, c):
        zero_v[pl.ds(i * 16, 16)] = zeros16
        return c

    lax.fori_loop(0, ZCHUNK // 16, _init_z, 0)

    zbase = batch * DHWP + slot * (ZITERS * ZCHUNK)

    def _zfire(i, c):
        pltpu.make_async_copy(
            zero_v, grid_hbm.at[pl.ds(zbase + i * ZCHUNK, ZCHUNK)], zsem).start()
        return c

    lax.fori_loop(0, ZITERS, _zfire, 0)

    ones16 = jnp.ones((16,), jnp.int32)

    def _init_o(i, c):
        ones_v[pl.ds(i * 16, 16)] = ones16
        return c

    lax.fori_loop(0, 8, _init_o, 0)

    ld_x.wait()
    ld_y.wait()
    ld_z.wait()

    lanes = lax.iota(jnp.int32, 16)
    padbase = batch * DHWP + DHW + slot * PPAD

    def _row(r, ptr):
        for gg in range(8):
            off = r * 128 + gg * 16
            p_loc = off + lanes
            x = x_v[pl.ds(off, 16)]
            y = y_v[pl.ds(off, 16)]
            z = z_v[pl.ds(off, 16)]
            valid = ((x > X_MIN) & (x < X_MAX)
                     & (y > Y_MIN) & (y < Y_MAX)
                     & (z > Z_MIN) & (z < Z_MAX)
                     & (p_loc < P))
            ix = ((x - X_MIN) * INV_STEP).astype(jnp.int32)
            iy = ((Y_MAX - y) * INV_STEP).astype(jnp.int32)
            iz = ((z - Z_MIN) * INV_STEP).astype(jnp.int32)
            flat = (iz * H_ + iy) * W_ + ix + batch * DHWP
            plsc.store_compressed(idx_v.at[pl.ds(ptr, 16)], flat, mask=valid)
            ptr = ptr + jnp.sum(valid.astype(jnp.int32))
        return ptr

    nv = lax.fori_loop(0, ROWS, _row, 0)
    srows = (nv + 127) // 128

    def _fill(k, c):
        m = k * 16 + lanes
        idx_v[pl.ds(nv + k * 16, 16)] = padbase + m * 16
        return c

    lax.fori_loop(0, (srows * 128 - nv + 15) // 16, _fill, 0)

    def _zdrain(i, c):
        pltpu.make_async_copy(
            zero_v, grid_hbm.at[pl.ds(zbase + i * ZCHUNK, ZCHUNK)], zsem).wait()
        return c

    lax.fori_loop(0, ZITERS, _zdrain, 0)

    plsc.subcore_barrier()

    def _sfire(r, c):
        pltpu.make_async_copy(
            ones_v, grid_hbm.at[idx_v.at[pl.ds(r * 128, 128)]], ssem).start()
        return c

    lax.fori_loop(0, srows, _sfire, 0)

    def _sdrain(r, c):
        pltpu.make_async_copy(
            ones_v, grid_hbm.at[idx_v.at[pl.ds(r * 128, 128)]], ssem).wait()
        return c

    lax.fori_loop(0, srows, _sdrain, 0)


def _pack_body(grid_hbm, out8_hbm, gin0_v, gin1_v, gout0_v, gout1_v,
               rsem0, rsem1, wsem):
    cid = lax.axis_index("c")
    sid = lax.axis_index("s")
    batch = cid * 2 + sid // WPB
    slot = sid % WPB
    lanes = lax.iota(jnp.int32, 16)

    gwbase = batch * DHWP + slot * GPW
    obw = batch * (DHW // 4) + slot * (GPW // 4)

    def _rd(k, buf, rsem):
        return pltpu.make_async_copy(
            grid_hbm.at[pl.ds(gwbase + k * PCH, PCH)], buf, rsem)

    def _wr(k, buf):
        return pltpu.make_async_copy(
            buf, out8_hbm.at[pl.ds(obw + k * (PCH // 4), PCH // 4)],
            wsem)

    l4 = lanes * 4

    def _pack(gin, gout):
        def _grp(g, c):
            base = g * 64 + l4
            a = plsc.load_gather(gin, [base])
            b = plsc.load_gather(gin, [base + 1])
            cc = plsc.load_gather(gin, [base + 2])
            d = plsc.load_gather(gin, [base + 3])
            w = a | (b << 8) | (cc << 16) | (d << 24)
            gout[pl.ds(g * 16, 16)] = w
            return c
        lax.fori_loop(0, PCH // 64, _grp, 0)

    _rd(0, gin0_v, rsem0).start()

    def _pair(j, c):
        k0 = 2 * j
        _rd(k0 + 1, gin1_v, rsem1).start()
        _rd(k0, gin0_v, rsem0).wait()

        @pl.when(j >= 1)
        def _():
            _wr(0, gout0_v).wait()
            _wr(0, gout1_v).wait()

        _pack(gin0_v, gout0_v)
        _wr(k0, gout0_v).start()

        @pl.when(j < NCH // 2 - 1)
        def _():
            _rd(k0 + 2, gin0_v, rsem0).start()

        _rd(k0 + 1, gin1_v, rsem1).wait()
        _pack(gin1_v, gout1_v)
        _wr(k0 + 1, gout1_v).start()
        return c

    lax.fori_loop(0, NCH // 2, _pair, 0)
    _wr(0, gout0_v).wait()
    _wr(0, gout1_v).wait()


def kernel(pointclouds):
    pts = jnp.transpose(pointclouds, (2, 0, 1)).reshape(3 * BN)
    mesh = plsc.VectorSubcoreMesh(core_axis_name="c", subcore_axis_name="s")
    grid = pl.kernel(
        _sc_body,
        out_type=jax.ShapeDtypeStruct((B_ * DHWP,), jnp.int32),
        mesh=mesh,
        compiler_params=pltpu.CompilerParams(needs_layout_passes=False),
        scratch_types=[
            pltpu.VMEM((PPAD,), jnp.float32),
            pltpu.VMEM((PPAD,), jnp.float32),
            pltpu.VMEM((PPAD,), jnp.float32),
            pltpu.VMEM((ROWS * 128 + 16,), jnp.int32),
            pltpu.VMEM((128,), jnp.int32),
            pltpu.VMEM((ZCHUNK,), jnp.int32),
            pltpu.SemaphoreType.DMA,
            pltpu.SemaphoreType.DMA,
            pltpu.SemaphoreType.DMA,
        ],
    )(pts)
    out8 = pl.kernel(
        _pack_body,
        out_type=jax.ShapeDtypeStruct((B_ * DHW // 4,), jnp.int32),
        mesh=mesh,
        compiler_params=pltpu.CompilerParams(needs_layout_passes=False),
        scratch_types=[
            pltpu.VMEM((PCH,), jnp.int32),
            pltpu.VMEM((PCH,), jnp.int32),
            pltpu.VMEM((PCH // 4,), jnp.int32),
            pltpu.VMEM((PCH // 4,), jnp.int32),
            pltpu.SemaphoreType.DMA,
            pltpu.SemaphoreType.DMA,
            pltpu.SemaphoreType.DMA,
        ],
    )(grid)
    return (lax.bitcast_convert_type(out8, jnp.int8)
               .reshape(B_, D_, H_, W_)
               .astype(jnp.bool_))

# --- scband reference (transcript-rebuilt; emitter-appended) ---
"""Pipeline reference for scband-voxelizer-22247930593310 (READ-ONLY COPY).

The authoritative reference and input builder live on the scoring server;
editing this copy changes nothing except your own understanding.
"""

import jax, jax.numpy as jnp
import numpy as np

X_MIN, X_MAX = 0.0, 80.0
Y_MIN, Y_MAX = -40.0, 40.0
Z_MIN, Z_MAX = -2.0, 4.0
STEP = 0.25
D = int((Z_MAX - Z_MIN) / STEP)
H = int((Y_MAX - Y_MIN) / STEP)
W = int((X_MAX - X_MIN) / STEP)


def setup_inputs(seed: int = 0) -> dict:
    key = jax.random.key(seed)
    k1, k2, k3 = jax.random.split(key, 3)
    B, N = 4, 200000
    # uniform points with a margin so some points fall out of range (like real sweeps)
    x = jax.random.uniform(k1, (B, N), minval=X_MIN - 5.0, maxval=X_MAX + 5.0)
    y = jax.random.uniform(k2, (B, N), minval=Y_MIN - 5.0, maxval=Y_MAX + 5.0)
    z = jax.random.uniform(k3, (B, N), minval=Z_MIN - 1.0, maxval=Z_MAX + 1.0)
    pointclouds = jnp.stack([x, y, z], axis=-1).astype(jnp.float32)
    return {"pointclouds": pointclouds}


def _voxelize_one(cloud):
    x, y, z = cloud[:, 0], cloud[:, 1], cloud[:, 2]
    valid = ((x > X_MIN) & (x < X_MAX)
             & (y > Y_MIN) & (y < Y_MAX)
             & (z > Z_MIN) & (z < Z_MAX))
    xs = x - X_MIN
    ys = Y_MAX - y
    zs = z - Z_MIN
    ix = jnp.floor(xs / STEP).astype(jnp.int32)
    iy = jnp.floor(ys / STEP).astype(jnp.int32)
    iz = jnp.floor(zs / STEP).astype(jnp.int32)
    flat = (iz * H + iy) * W + ix
    # out-of-range points routed to a dummy slot that is sliced off
    flat = jnp.where(valid, flat, D * H * W)
    grid = jnp.zeros(D * H * W + 1, dtype=jnp.bool_).at[flat].set(True)
    return grid[: D * H * W].reshape(D, H, W)


def reference(pointclouds):
    # pointclouds: float32[B, N, 3]; equivalent to the torch loop over the list
    return jax.vmap(_voxelize_one)(pointclouds)

if __name__ == "__main__":
    import jax
    _d = setup_inputs()
    print(jax.jit(kernel)(*tuple(_d.values())))

</pallas_src>

<mosaic_0001>
#map = affine_map<(d0, d1) -> (0)>
module attributes {stable_mosaic.version = 14 : i64} {
  func.func @_sc_body(%arg0: i32, %arg1: i32, %arg2: memref<2400000xf32, #tpu.memory_space<hbm>>, %arg3: memref<10633216xi32, #tpu.memory_space<hbm>>, %arg4: memref<25088xf32, #tpu.memory_space<vmem>>, %arg5: memref<25088xf32, #tpu.memory_space<vmem>>, %arg6: memref<25088xf32, #tpu.memory_space<vmem>>, %arg7: memref<25104xi32, #tpu.memory_space<vmem>>, %arg8: memref<128xi32, #tpu.memory_space<vmem>>, %arg9: memref<8192xi32, #tpu.memory_space<vmem>>, %arg10: memref<!tpu.dma_semaphore, #tpu.memory_space<semaphore_mem>>, %arg11: memref<!tpu.dma_semaphore, #tpu.memory_space<semaphore_mem>>, %arg12: memref<!tpu.dma_semaphore, #tpu.memory_space<semaphore_mem>>) attributes {dimension_semantics = [#tpu.dimension_semantics<core_parallel>, #tpu.dimension_semantics<subcore_parallel>], iteration_bounds = array<i64: 2, 16>, scalar_prefetch = 0 : i64, scratch_operands = 9 : i64, tpu.core_type = #tpu.core_type<sc_vector_subcore>, window_params = [{transform_indices = #map}, {transform_indices = #map}]} {
    %mul3A = arith.constant 2 : i32
    %mul3A_0 = arith.muli %arg0, %mul3A : i32
    %jit3A = arith.constant 8 : i32
    %div3A = arith.divsi %arg1, %jit3A : i32
    %sign3A = arith.constant 0 : i32
    %sign3A_1 = arith.cmpi sgt, %arg1, %sign3A : i32
    %sign3A_2 = arith.extui %sign3A_1 : i1 to i32
    %sign3A_3 = arith.constant 0 : i32
    %sign3A_4 = arith.cmpi slt, %arg1, %sign3A_3 : i32
    %sign3A_5 = arith.extui %sign3A_4 : i1 to i32
    %sign3A_6 = arith.subi %sign3A_2, %sign3A_5 : i32
    %sign3A_7 = arith.constant 0 : i32
    %sign3A_8 = arith.cmpi sgt, %jit3A, %sign3A_7 : i32
    %sign3A_9 = arith.extui %sign3A_8 : i1 to i32
    %sign3A_10 = arith.constant 0 : i32
    %sign3A_11 = arith.cmpi slt, %jit3A, %sign3A_10 : i32
    %sign3A_12 = arith.extui %sign3A_11 : i1 to i32
    %sign3A_13 = arith.subi %sign3A_9, %sign3A_12 : i32
    %ne3A = arith.cmpi ne, %sign3A_6, %sign3A_13 : i32
    %rem3A = arith.remsi %arg1, %jit3A : i32
    %ne3A_14 = arith.constant 0 : i32
    %ne3A_15 = arith.cmpi ne, %rem3A, %ne3A_14 : i32
    %and3A = arith.andi %ne3A, %ne3A_15 : i1
    %sub3A = arith.constant 1 : i32
    %sub3A_16 = arith.subi %div3A, %sub3A : i32
    %select_n3A = arith.select %and3A, %sub3A_16, %div3A : i32
    %add3A = arith.addi %mul3A_0, %select_n3A : i32
    %jit3A_17 = arith.constant 8 : i32
    %eq3A = arith.constant 0 : i32
    %eq3A_18 = arith.cmpi eq, %jit3A_17, %eq3A : i32
    %jit3A_19 = arith.constant 1 : i32
    %select_n3A_20 = arith.select %eq3A_18, %jit3A_19, %jit3A_17 : i32
    %rem3A_21 = arith.remsi %arg1, %select_n3A_20 : i32
    %ne3A_22 = arith.constant 0 : i32
    %ne3A_23 = arith.cmpi ne, %rem3A_21, %ne3A_22 : i32
    %lt3A = arith.constant 0 : i32
    %lt3A_24 = arith.cmpi slt, %rem3A_21, %lt3A : i32
    %lt3A_25 = arith.constant 0 : i32
    %lt3A_26 = arith.cmpi slt, %select_n3A_20, %lt3A_25 : i32
    %ne3A_27 = arith.xori %lt3A_24, %lt3A_26 : i1
    %and3A_28 = arith.andi %ne3A_27, %ne3A_23 : i1
    %add3A_29 = arith.addi %rem3A_21, %select_n3A_20 : i32
    %select_n3A_30 = arith.select %and3A_28, %add3A_29, %rem3A_21 : i32
    %mul3A_31 = arith.constant 200000 : i32
    %mul3A_32 = arith.muli %add3A, %mul3A_31 : i32
    %mul3A_33 = arith.constant 25000 : i32
    %mul3A_34 = arith.muli %select_n3A_30, %mul3A_33 : i32
    %add3A_35 = arith.addi %mul3A_32, %mul3A_34 : i32
    %add3A_36 = arith.constant 800000 : i32
    %add3A_37 = arith.addi %add3A_36, %add3A_35 : i32
    %add3A_38 = arith.constant 1600000 : i32
    %add3A_39 = arith.addi %add3A_38, %add3A_35 : i32
    %dma_start3A = arith.constant 0 : i32
    %dma_start3A_40 = tpu.memref_slice %arg4[%dma_start3A] : memref<25088xf32, #tpu.memory_space<vmem>> -> memref<25000xf32, #tpu.memory_space<vmem>>
    %dma_start3A_41 = tpu.memref_slice %arg2[%add3A_35] : memref<2400000xf32, #tpu.memory_space<hbm>> -> memref<25000xf32, #tpu.memory_space<hbm>>
    %dma_start3A_42 = arith.constant 0 : i32
    %dma_start3A_43 = tpu.memref_slice %arg4[%dma_start3A_42] : memref<25088xf32, #tpu.memory_space<vmem>> -> memref<25000xf32, #tpu.memory_space<vmem>>
    %dma_start3A_44 = tpu.memref_slice %arg2[%add3A_35] : memref<2400000xf32, #tpu.memory_space<hbm>> -> memref<25000xf32, #tpu.memory_space<hbm>>
    tpu.enqueue_dma source(%dma_start3A_44 : memref<25000xf32, #tpu.memory_space<hbm>>) target(%dma_start3A_43 : memref<25000xf32, #tpu.memory_space<vmem>>) target_semaphore(%arg10 : memref<!tpu.dma_semaphore, #tpu.memory_space<semaphore_mem>>)
    %dma_start3A_45 = arith.constant 0 : i32
    %dma_start3A_46 = tpu.memref_slice %arg5[%dma_start3A_45] : memref<25088xf32, #tpu.memory_space<vmem>> -> memref<25000xf32, #tpu.memory_space<vmem>>
    %dma_start3A_47 = tpu.memref_slice %arg2[%add3A_37] : memref<2400000xf32, #tpu.memory_space<hbm>> -> memref<25000xf32, #tpu.memory_space<hbm>>
    %dma_start3A_48 = arith.constant 0 : i32
    %dma_start3A_49 = tpu.memref_slice %arg5[%dma_start3A_48] : memref<25088xf32, #tpu.memory_space<vmem>> -> memref<25000xf32, #tpu.memory_space<vmem>>
    %dma_start3A_50 = tpu.memref_slice %arg2[%add3A_37] : memref<2400000xf32, #tpu.memory_space<hbm>> -> memref<25000xf32, #tpu.memory_space<hbm>>
    tpu.enqueue_dma source(%dma_start3A_50 : memref<25000xf32, #tpu.memory_space<hbm>>) target(%dma_start3A_49 : memref<25000xf32, #tpu.memory_space<vmem>>) target_semaphore(%arg10 : memref<!tpu.dma_semaphore, #tpu.memory_space<semaphore_mem>>)
    %dma_start3A_51 = arith.constant 0 : i32
    %dma_start3A_52 = tpu.memref_slice %arg6[%dma_start3A_51] : memref<25088xf32, #tpu.memory_space<vmem>> -> memref<25000xf32, #tpu.memory_space<vmem>>
    %dma_start3A_53 = tpu.memref_slice %arg2[%add3A_39] : memref<2400000xf32, #tpu.memory_space<hbm>> -> memref<25000xf32, #tpu.memory_space<hbm>>
    %dma_start3A_54 = arith.constant 0 : i32
    %dma_start3A_55 = tpu.memref_slice %arg6[%dma_start3A_54] : memref<25088xf32, #tpu.memory_space<vmem>> -> memref<25000xf32, #tpu.memory_space<vmem>>
    %dma_start3A_56 = tpu.memref_slice %arg2[%add3A_39] : memref<2400000xf32, #tpu.memory_space<hbm>> -> memref<25000xf32, #tpu.memory_space<hbm>>
    tpu.enqueue_dma source(%dma_start3A_56 : memref<25000xf32, #tpu.memory_space<hbm>>) target(%dma_start3A_55 : memref<25000xf32, #tpu.memory_space<vmem>>) target_semaphore(%arg10 : memref<!tpu.dma_semaphore, #tpu.memory_space<semaphore_mem>>)
    %broadcast_in_dim3A = arith.constant 0 : i32
    %broadcast_in_dim3A_57 = vector.broadcast %broadcast_in_dim3A : i32 to vector<16xi32>
    %scan3A = arith.constant 0 : i32
    %scan3A_58 = arith.constant 0 : i32
    %scan3A_59 = arith.constant 512 : i32
    %scan3A_60 = arith.addi %scan3A_58, %scan3A_59 : i32
    %scan3A_61 = arith.constant 1 : i32
    scf.for %scan3A_203 = %scan3A_58 to %scan3A_60 step %scan3A_61  : i32 {
      %mul3A_204 = arith.constant 16 : i32
      %mul3A_205 = arith.muli %scan3A_203, %mul3A_204 : i32
      %swap3A = arith.index_cast %mul3A_205 : i32 to index
      %swap3A_206 = tpu.vector_load %arg9[%swap3A] {strides = array<i32>} : memref<8192xi32, #tpu.memory_space<vmem>>, vector<16xi32>,
      tpu.vector_store %arg9[%swap3A], %broadcast_in_dim3A_57 {strides = array<i32>} : memref<8192xi32, #tpu.memory_space<vmem>>, vector<16xi32>,
    }
    %scan3A_62 = arith.constant 512 : i32
    %mul3A_63 = arith.constant 2658304 : i32
    %mul3A_64 = arith.muli %add3A, %mul3A_63 : i32
    %mul3A_65 = arith.constant 311296 : i32
    %mul3A_66 = arith.muli %select_n3A_30, %mul3A_65 : i32
    %add3A_67 = arith.addi %mul3A_64, %mul3A_66 : i32
    %scan3A_68 = arith.constant 0 : i32
    %scan3A_69 = arith.constant 0 : i32
    %scan3A_70 = arith.constant 38 : i32
    %scan3A_71 = arith.addi %scan3A_69, %scan3A_70 : i32
    %scan3A_72 = arith.constant 1 : i32
    scf.for %scan3A_203 = %scan3A_69 to %scan3A_71 step %scan3A_72  : i32 {
      %mul3A_204 = arith.constant 8192 : i32
      %mul3A_205 = arith.muli %scan3A_203, %mul3A_204 : i32
      %add3A_206 = arith.addi %add3A_67, %mul3A_205 : i32
      %dma_start3A_207 = tpu.memref_slice %arg3[%add3A_206] : memref<10633216xi32, #tpu.memory_space<hbm>> -> memref<8192xi32, #tpu.memory_space<hbm>>
      %dma_start3A_208 = tpu.memref_slice %arg3[%add3A_206] : memref<10633216xi32, #tpu.memory_space<hbm>> -> memref<8192xi32, #tpu.memory_space<hbm>>
      tpu.enqueue_dma source(%arg9 : memref<8192xi32, #tpu.memory_space<vmem>>) target(%dma_start3A_208 : memref<8192xi32, #tpu.memory_space<hbm>>) target_semaphore(%arg11 : memref<!tpu.dma_semaphore, #tpu.memory_space<semaphore_mem>>)
    }
    %scan3A_73 = arith.constant 38 : i32
    %broadcast_in_dim3A_74 = arith.constant 1 : i32
    %broadcast_in_dim3A_75 = vector.broadcast %broadcast_in_dim3A_74 : i32 to vector<16xi32>
    %scan3A_76 = arith.constant 0 : i32
    %scan3A_77 = arith.constant 0 : i32
    %scan3A_78 = arith.constant 8 : i32
    %scan3A_79 = arith.addi %scan3A_77, %scan3A_78 : i32
    %scan3A_80 = arith.constant 1 : i32
    scf.for %scan3A_203 = %scan3A_77 to %scan3A_79 step %scan3A_80  : i32 {
      %mul3A_204 = arith.constant 16 : i32
      %mul3A_205 = arith.muli %scan3A_203, %mul3A_204 : i32
      %swap3A = arith.index_cast %mul3A_205 : i32 to index
      %swap3A_206 = tpu.vector_load %arg8[%swap3A] {strides = array<i32>} : memref<128xi32, #tpu.memory_space<vmem>>, vector<16xi32>,
      tpu.vector_store %arg8[%swap3A], %broadcast_in_dim3A_75 {strides = array<i32>} : memref<128xi32, #tpu.memory_space<vmem>>, vector<16xi32>,
    }
    %scan3A_81 = arith.constant 8 : i32
    %dma_wait3A = arith.constant 0 : i32
    %dma_wait3A_82 = tpu.memref_slice %arg4[%dma_wait3A] : memref<25088xf32, #tpu.memory_space<vmem>> -> memref<25000xf32, #tpu.memory_space<vmem>>
    %dma_wait3A_83 = tpu.memref_slice %arg2[%add3A_35] : memref<2400000xf32, #tpu.memory_space<hbm>> -> memref<25000xf32, #tpu.memory_space<hbm>>
    %dma_wait3A_84 = arith.constant 0 : i32
    %dma_wait3A_85 = tpu.memref_slice %arg4[%dma_wait3A_84] : memref<25088xf32, #tpu.memory_space<vmem>> -> memref<25000xf32, #tpu.memory_space<vmem>>
    %dma_wait3A_86 = tpu.memref_slice %arg2[%add3A_35] : memref<2400000xf32, #tpu.memory_space<hbm>> -> memref<25000xf32, #tpu.memory_space<hbm>>
    tpu.wait_dma2 semaphore(%arg10 : memref<!tpu.dma_semaphore, #tpu.memory_space<semaphore_mem>>) src(%dma_wait3A_86 : memref<25000xf32, #tpu.memory_space<hbm>>) dst(%dma_wait3A_85 : memref<25000xf32, #tpu.memory_space<vmem>>)
    %dma_wait3A_87 = arith.constant 0 : i32
    %dma_wait3A_88 = tpu.memref_slice %arg5[%dma_wait3A_87] : memref<25088xf32, #tpu.memory_space<vmem>> -> memref<25000xf32, #tpu.memory_space<vmem>>
    %dma_wait3A_89 = tpu.memref_slice %arg2[%add3A_37] : memref<2400000xf32, #tpu.memory_space<hbm>> -> memref<25000xf32, #tpu.memory_space<hbm>>
    %dma_wait3A_90 = arith.constant 0 : i32
    %dma_wait3A_91 = tpu.memref_slice %arg5[%dma_wait3A_90] : memref<25088xf32, #tpu.memory_space<vmem>> -> memref<25000xf32, #tpu.memory_space<vmem>>
    %dma_wait3A_92 = tpu.memref_slice %arg2[%add3A_37] : memref<2400000xf32, #tpu.memory_space<hbm>> -> memref<25000xf32, #tpu.memory_space<hbm>>
    tpu.wait_dma2 semaphore(%arg10 : memref<!tpu.dma_semaphore, #tpu.memory_space<semaphore_mem>>) src(%dma_wait3A_92 : memref<25000xf32, #tpu.memory_space<hbm>>) dst(%dma_wait3A_91 : memref<25000xf32, #tpu.memory_space<vmem>>)
    %dma_wait3A_93 = arith.constant 0 : i32
    %dma_wait3A_94 = tpu.memref_slice %arg6[%dma_wait3A_93] : memref<25088xf32, #tpu.memory_space<vmem>> -> memref<25000xf32, #tpu.memory_space<vmem>>
    %dma_wait3A_95 = tpu.memref_slice %arg2[%add3A_39] : memref<2400000xf32, #tpu.memory_space<hbm>> -> memref<25000xf32, #tpu.memory_space<hbm>>
    %dma_wait3A_96 = arith.constant 0 : i32
    %dma_wait3A_97 = tpu.memref_slice %arg6[%dma_wait3A_96] : memref<25088xf32, #tpu.memory_space<vmem>> -> memref<25000xf32, #tpu.memory_space<vmem>>
    %dma_wait3A_98 = tpu.memref_slice %arg2[%add3A_39] : memref<2400000xf32, #tpu.memory_space<hbm>> -> memref<25000xf32, #tpu.memory_space<hbm>>
    tpu.wait_dma2 semaphore(%arg10 : memref<!tpu.dma_semaphore, #tpu.memory_space<semaphore_mem>>) src(%dma_wait3A_98 : memref<25000xf32, #tpu.memory_space<hbm>>) dst(%dma_wait3A_97 : memref<25000xf32, #tpu.memory_space<vmem>>)
    %iota3A = tpu.iota {dimensions = array<i32: 0>} : vector<16xi32>
    %mul3A_99 = arith.constant 2658304 : i32
    %mul3A_100 = arith.muli %add3A, %mul3A_99 : i32
    %add3A_101 = arith.constant 2457600 : i32
    %add3A_102 = arith.addi %mul3A_100, %add3A_101 : i32
    %mul3A_103 = arith.constant 25088 : i32
    %mul3A_104 = arith.muli %select_n3A_30, %mul3A_103 : i32
    %add3A_105 = arith.addi %add3A_102, %mul3A_104 : i32
    %scan3A_106 = arith.constant 0 : i32
    %scan3A_107 = arith.constant 0 : i32
    %scan3A_108 = arith.constant 196 : i32
    %scan3A_109 = arith.addi %scan3A_107, %scan3A_108 : i32
    %scan3A_110 = arith.constant 1 : i32
    %scan3A_111 = scf.for %scan3A_203 = %scan3A_107 to %scan3A_109 step %scan3A_110 iter_args(%scan3A_204 = %scan3A_106) -> (i32)  : i32 {
      %mul3A_205 = arith.constant 128 : i32
      %mul3A_206 = arith.muli %scan3A_203, %mul3A_205 : i32
      %add3A_207 = arith.constant 0 : i32
      %add3A_208 = arith.addi %mul3A_206, %add3A_207 : i32
      %add3A_209 = vector.broadcast %add3A_208 : i32 to vector<16xi32>
      %add3A_210 = arith.addi %add3A_209, %iota3A : vector<16xi32>
      %get3A = arith.index_cast %add3A_208 : i32 to index
      %get3A_211 = tpu.vector_load %arg4[%get3A] {strides = array<i32>} : memref<25088xf32, #tpu.memory_space<vmem>>, vector<16xf32>,
      %get3A_212 = arith.index_cast %add3A_208 : i32 to index
      %get3A_213 = tpu.vector_load %arg5[%get3A_212] {strides = array<i32>} : memref<25088xf32, #tpu.memory_space<vmem>>, vector<16xf32>,
      %get3A_214 = arith.index_cast %add3A_208 : i32 to index
      %get3A_215 = tpu.vector_load %arg6[%get3A_214] {strides = array<i32>} : memref<25088xf32, #tpu.memory_space<vmem>>, vector<16xf32>,
      %gt3A = arith.constant 0.000000e+00 : f32
      %gt3A_216 = vector.broadcast %gt3A : f32 to vector<16xf32>
      %gt3A_217 = arith.cmpf ogt, %get3A_211, %gt3A_216 : vector<16xf32>
      %lt3A_218 = arith.constant 8.000000e+01 : f32
      %lt3A_219 = vector.broadcast %lt3A_218 : f32 to vector<16xf32>
      %lt3A_220 = arith.cmpf olt, %get3A_211, %lt3A_219 : vector<16xf32>
      %and3A_221 = arith.andi %gt3A_217, %lt3A_220 : vector<16xi1>
      %gt3A_222 = arith.constant -4.000000e+01 : f32
      %gt3A_223 = vector.broadcast %gt3A_222 : f32 to vector<16xf32>
      %gt3A_224 = arith.cmpf ogt, %get3A_213, %gt3A_223 : vector<16xf32>
      %and3A_225 = arith.andi %and3A_221, %gt3A_224 : vector<16xi1>
      %lt3A_226 = arith.constant 4.000000e+01 : f32
      %lt3A_227 = vector.broadcast %lt3A_226 : f32 to vector<16xf32>
      %lt3A_228 = arith.cmpf olt, %get3A_213, %lt3A_227 : vector<16xf32>
      %and3A_229 = arith.andi %and3A_225, %lt3A_228 : vector<16xi1>
      %gt3A_230 = arith.constant -2.000000e+00 : f32
      %gt3A_231 = vector.broadcast %gt3A_230 : f32 to vector<16xf32>
      %gt3A_232 = arith.cmpf ogt, %get3A_215, %gt3A_231 : vector<16xf32>
      %and3A_233 = arith.andi %and3A_229, %gt3A_232 : vector<16xi1>
      %lt3A_234 = arith.constant 4.000000e+00 : f32
      %lt3A_235 = vector.broadcast %lt3A_234 : f32 to vector<16xf32>
      %lt3A_236 = arith.cmpf olt, %get3A_215, %lt3A_235 : vector<16xf32>
      %and3A_237 = arith.andi %and3A_233, %lt3A_236 : vector<16xi1>
      %lt3A_238 = arith.constant 25000 : i32
      %lt3A_239 = vector.broadcast %lt3A_238 : i32 to vector<16xi32>
      %lt3A_240 = arith.cmpi slt, %add3A_210, %lt3A_239 : vector<16xi32>
      %and3A_241 = arith.andi %and3A_237, %lt3A_240 : vector<16xi1>
      %sub3A_242 = arith.constant 0.000000e+00 : f32
      %sub3A_243 = vector.broadcast %sub3A_242 : f32 to vector<16xf32>
      %sub3A_244 = arith.subf %get3A_211, %sub3A_243 : vector<16xf32>
      %mul3A_245 = arith.constant 4.000000e+00 : f32
      %mul3A_246 = vector.broadcast %mul3A_245 : f32 to vector<16xf32>
      %mul3A_247 = arith.mulf %sub3A_244, %mul3A_246 : vector<16xf32>
      %convert_element_type3A = arith.fptosi %mul3A_247 : vector<16xf32> to vector<16xi32>
      %sub3A_248 = arith.constant 4.000000e+01 : f32
      %sub3A_249 = vector.broadcast %sub3A_248 : f32 to vector<16xf32>
      %sub3A_250 = arith.subf %sub3A_249, %get3A_213 : vector<16xf32>
      %mul3A_251 = arith.constant 4.000000e+00 : f32
      %mul3A_252 = vector.broadcast %mul3A_251 : f32 to vector<16xf32>
      %mul3A_253 = arith.mulf %sub3A_250, %mul3A_252 : vector<16xf32>
      %convert_element_type3A_254 = arith.fptosi %mul3A_253 : vector<16xf32> to vector<16xi32>
      %sub3A_255 = arith.constant -2.000000e+00 : f32
      %sub3A_256 = vector.broadcast %sub3A_255 : f32 to vector<16xf32>
      %sub3A_257 = arith.subf %get3A_215, %sub3A_256 : vector<16xf32>
      %mul3A_258 = arith.constant 4.000000e+00 : f32
      %mul3A_259 = vector.broadcast %mul3A_258 : f32 to vector<16xf32>
      %mul3A_260 = arith.mulf %sub3A_257, %mul3A_259 : vector<16xf32>
      %convert_element_type3A_261 = arith.fptosi %mul3A_260 : vector<16xf32> to vector<16xi32>
      %mul3A_262 = arith.constant 320 : i32
      %mul3A_263 = vector.broadcast %mul3A_262 : i32 to vector<16xi32>
      %mul3A_264 = arith.muli %convert_element_type3A_261, %mul3A_263 : vector<16xi32>
      %add3A_265 = arith.addi %mul3A_264, %convert_element_type3A_254 : vector<16xi32>
      %mul3A_266 = arith.constant 320 : i32
      %mul3A_267 = vector.broadcast %mul3A_266 : i32 to vector<16xi32>
      %mul3A_268 = arith.muli %add3A_265, %mul3A_267 : vector<16xi32>
      %add3A_269 = arith.addi %mul3A_268, %convert_element_type3A : vector<16xi32>
      %mul3A_270 = arith.constant 2658304 : i32
      %mul3A_271 = arith.muli %add3A, %mul3A_270 : i32
      %add3A_272 = vector.broadcast %mul3A_271 : i32 to vector<16xi32>
      %add3A_273 = arith.addi %add3A_269, %add3A_272 : vector<16xi32>
      %swap3A = arith.index_cast %scan3A_204 : i32 to index
      %swap3A_274 = tpu.vector_load %arg7[%swap3A] masked %and3A_241 {strides = array<i32>} : memref<25104xi32, #tpu.memory_space<vmem>>, vector<16xi32>, vector<16xi1>
      tpu.vector_store %arg7[%swap3A], %add3A_273 masked %and3A_241 {strides = array<i32>} : memref<25104xi32, #tpu.memory_space<vmem>>, vector<16xi32>, vector<16xi1>
      %convert_element_type3A_275 = arith.extui %and3A_241 : vector<16xi1> to vector<16xi32>
      %reduce_sum3A = arith.constant true
      %reduce_sum3A_276 = vector.broadcast %reduce_sum3A : i1 to vector<16xi1>
      %reduce_sum3A_277 = tpu.scan <sum>, %convert_element_type3A_275 masked %reduce_sum3A_276 : vector<16xi32>, vector<16xi1> -> vector<16xi32>
      %reduce_sum3A_278 = vector.extract %reduce_sum3A_277[15] : i32 from vector<16xi32>
      %add3A_279 = arith.addi %scan3A_204, %reduce_sum3A_278 : i32
      %mul3A_280 = arith.constant 128 : i32
      %mul3A_281 = arith.muli %scan3A_203, %mul3A_280 : i32
      %add3A_282 = arith.constant 16 : i32
      %add3A_283 = arith.addi %mul3A_281, %add3A_282 : i32
      %add3A_284 = vector.broadcast %add3A_283 : i32 to vector<16xi32>
      %add3A_285 = arith.addi %add3A_284, %iota3A : vector<16xi32>
      %get3A_286 = arith.index_cast %add3A_283 : i32 to index
      %get3A_287 = tpu.vector_load %arg4[%get3A_286] {strides = array<i32>} : memref<25088xf32, #tpu.memory_space<vmem>>, vector<16xf32>,
      %get3A_288 = arith.index_cast %add3A_283 : i32 to index
      %get3A_289 = tpu.vector_load %arg5[%get3A_288] {strides = array<i32>} : memref<25088xf32, #tpu.memory_space<vmem>>, vector<16xf32>,
      %get3A_290 = arith.index_cast %add3A_283 : i32 to index
      %get3A_291 = tpu.vector_load %arg6[%get3A_290] {strides = array<i32>} : memref<25088xf32, #tpu.memory_space<vmem>>, vector<16xf32>,
      %gt3A_292 = arith.constant 0.000000e+00 : f32
      %gt3A_293 = vector.broadcast %gt3A_292 : f32 to vector<16xf32>
      %gt3A_294 = arith.cmpf ogt, %get3A_287, %gt3A_293 : vector<16xf32>
      %lt3A_295 = arith.constant 8.000000e+01 : f32
      %lt3A_296 = vector.broadcast %lt3A_295 : f32 to vector<16xf32>
      %lt3A_297 = arith.cmpf olt, %get3A_287, %lt3A_296 : vector<16xf32>
      %and3A_298 = arith.andi %gt3A_294, %lt3A_297 : vector<16xi1>
      %gt3A_299 = arith.constant -4.000000e+01 : f32
      %gt3A_300 = vector.broadcast %gt3A_299 : f32 to vector<16xf32>
      %gt3A_301 = arith.cmpf ogt, %get3A_289, %gt3A_300 : vector<16xf32>
      %and3A_302 = arith.andi %and3A_298, %gt3A_301 : vector<16xi1>
      %lt3A_303 = arith.constant 4.000000e+01 : f32
      %lt3A_304 = vector.broadcast %lt3A_303 : f32 to vector<16xf32>
      %lt3A_305 = arith.cmpf olt, %get3A_289, %lt3A_304 : vector<16xf32>
      %and3A_306 = arith.andi %and3A_302, %lt3A_305 : vector<16xi1>
      %gt3A_307 = arith.constant -2.000000e+00 : f32
      %gt3A_308 = vector.broadcast %gt3A_307 : f32 to vector<16xf32>
      %gt3A_309 = arith.cmpf ogt, %get3A_291, %gt3A_308 : vector<16xf32>
      %and3A_310 = arith.andi %and3A_306, %gt3A_309 : vector<16xi1>
      %lt3A_311 = arith.constant 4.000000e+00 : f32
      %lt3A_312 = vector.broadcast %lt3A_311 : f32 to vector<16xf32>
      %lt3A_313 = arith.cmpf olt, %get3A_291, %lt3A_312 : vector<16xf32>
      %and3A_314 = arith.andi %and3A_310, %lt3A_313 : vector<16xi1>
      %lt3A_315 = arith.constant 25000 : i32
      %lt3A_316 = vector.broadcast %lt3A_315 : i32 to vector<16xi32>
      %lt3A_317 = arith.cmpi slt, %add3A_285, %lt3A_316 : vector<16xi32>
      %and3A_318 = arith.andi %and3A_314, %lt3A_317 : vector<16xi1>
      %sub3A_319 = arith.constant 0.000000e+00 : f32
      %sub3A_320 = vector.broadcast %sub3A_319 : f32 to vector<16xf32>
      %sub3A_321 = arith.subf %get3A_287, %sub3A_320 : vector<16xf32>
      %mul3A_322 = arith.constant 4.000000e+00 : f32
      %mul3A_323 = vector.broadcast %mul3A_322 : f32 to vector<16xf32>
      %mul3A_324 = arith.mulf %sub3A_321, %mul3A_323 : vector<16xf32>
      %convert_element_type3A_325 = arith.fptosi %mul3A_324 : vector<16xf32> to vector<16xi32>
      %sub3A_326 = arith.constant 4.000000e+01 : f32
      %sub3A_327 = vector.broadcast %sub3A_326 : f32 to vector<16xf32>
      %sub3A_328 = arith.subf %sub3A_327, %get3A_289 : vector<16xf32>
      %mul3A_329 = arith.constant 4.000000e+00 : f32
      %mul3A_330 = vector.broadcast %mul3A_329 : f32 to vector<16xf32>
      %mul3A_331 = arith.mulf %sub3A_328, %mul3A_330 : vector<16xf32>
      %convert_element_type3A_332 = arith.fptosi %mul3A_331 : vector<16xf32> to vector<16xi32>
      %sub3A_333 = arith.constant -2.000000e+00 : f32
      %sub3A_334 = vector.broadcast %sub3A_333 : f32 to vector<16xf32>
      %sub3A_335 = arith.subf %get3A_291, %sub3A_334 : vector<16xf32>
      %mul3A_336 = arith.constant 4.000000e+00 : f32
      %mul3A_337 = vector.broadcast %mul3A_336 : f32 to vector<16xf32>
      %mul3A_338 = arith.mulf %sub3A_335, %mul3A_337 : vector<16xf32>
      %convert_element_type3A_339 = arith.fptosi %mul3A_338 : vector<16xf32> to vector<16xi32>
      %mul3A_340 = arith.constant 320 : i32
      %mul3A_341 = vector.broadcast %mul3A_340 : i32 to vector<16xi32>
      %mul3A_342 = arith.muli %convert_element_type3A_339, %mul3A_341 : vector<16xi32>
      %add3A_343 = arith.addi %mul3A_342, %convert_element_type3A_332 : vector<16xi32>
      %mul3A_344 = arith.constant 320 : i32
      %mul3A_345 = vector.broadcast %mul3A_344 : i32 to vector<16xi32>
      %mul3A_346 = arith.muli %add3A_343, %mul3A_345 : vector<16xi32>
      %add3A_347 = arith.addi %mul3A_346, %convert_element_type3A_325 : vector<16xi32>
      %mul3A_348 = arith.constant 2658304 : i32
      %mul3A_349 = arith.muli %add3A, %mul3A_348 : i32
      %add3A_350 = vector.broadcast %mul3A_349 : i32 to vector<16xi32>
      %add3A_351 = arith.addi %add3A_347, %add3A_350 : vector<16xi32>
      %swap3A_352 = arith.index_cast %add3A_279 : i32 to index
      %swap3A_353 = tpu.vector_load %arg7[%swap3A_352] masked %and3A_318 {strides = array<i32>} : memref<25104xi32, #tpu.memory_space<vmem>>, vector<16xi32>, vector<16xi1>
      tpu.vector_store %arg7[%swap3A_352], %add3A_351 masked %and3A_318 {strides = array<i32>} : memref<25104xi32, #tpu.memory_space<vmem>>, vector<16xi32>, vector<16xi1>
      %convert_element_type3A_354 = arith.extui %and3A_318 : vector<16xi1> to vector<16xi32>
      %reduce_sum3A_355 = arith.constant true
      %reduce_sum3A_356 = vector.broadcast %reduce_sum3A_355 : i1 to vector<16xi1>
      %reduce_sum3A_357 = tpu.scan <sum>, %convert_element_type3A_354 masked %reduce_sum3A_356 : vector<16xi32>, vector<16xi1> -> vector<16xi32>
      %reduce_sum3A_358 = vector.extract %reduce_sum3A_357[15] : i32 from vector<16xi32>
      %add3A_359 = arith.addi %add3A_279, %reduce_sum3A_358 : i32
      %mul3A_360 = arith.constant 128 : i32
      %mul3A_361 = arith.muli %scan3A_203, %mul3A_360 : i32
      %add3A_362 = arith.constant 32 : i32
      %add3A_363 = arith.addi %mul3A_361, %add3A_362 : i32
      %add3A_364 = vector.broadcast %add3A_363 : i32 to vector<16xi32>
      %add3A_365 = arith.addi %add3A_364, %iota3A : vector<16xi32>
      %get3A_366 = arith.index_cast %add3A_363 : i32 to index
      %get3A_367 = tpu.vector_load %arg4[%get3A_366] {strides = array<i32>} : memref<25088xf32, #tpu.memory_space<vmem>>, vector<16xf32>,
      %get3A_368 = arith.index_cast %add3A_363 : i32 to index
      %get3A_369 = tpu.vector_load %arg5[%get3A_368] {strides = array<i32>} : memref<25088xf32, #tpu.memory_space<vmem>>, vector<16xf32>,
      %get3A_370 = arith.index_cast %add3A_363 : i32 to index
      %get3A_371 = tpu.vector_load %arg6[%get3A_370] {strides = array<i32>} : memref<25088xf32, #tpu.memory_space<vmem>>, vector<16xf32>,
      %gt3A_372 = arith.constant 0.000000e+00 : f32
      %gt3A_373 = vector.broadcast %gt3A_372 : f32 to vector<16xf32>
      %gt3A_374 = arith.cmpf ogt, %get3A_367, %gt3A_373 : vector<16xf32>
      %lt3A_375 = arith.constant 8.000000e+01 : f32
      %lt3A_376 = vector.broadcast %lt3A_375 : f32 to vector<16xf32>
      %lt3A_377 = arith.cmpf olt, %get3A_367, %lt3A_376 : vector<16xf32>
      %and3A_378 = arith.andi %gt3A_374, %lt3A_377 : vector<16xi1>
      %gt3A_379 = arith.constant -4.000000e+01 : f32
      %gt3A_380 = vector.broadcast %gt3A_379 : f32 to vector<16xf32>
      %gt3A_381 = arith.cmpf ogt, %get3A_369, %gt3A_380 : vector<16xf32>
      %and3A_382 = arith.andi %and3A_378, %gt3A_381 : vector<16xi1>
      %lt3A_383 = arith.constant 4.000000e+01 : f32
      %lt3A_384 = vector.broadcast %lt3A_383 : f32 to vector<16xf32>
      %lt3A_385 = arith.cmpf olt, %get3A_369, %lt3A_384 : vector<16xf32>
      %and3A_386 = arith.andi %and3A_382, %lt3A_385 : vector<16xi1>
      %gt3A_387 = arith.constant -2.000000e+00 : f32
      %gt3A_388 = vector.broadcast %gt3A_387 : f32 to vector<16xf32>
      %gt3A_389 = arith.cmpf ogt, %get3A_371, %gt3A_388 : vector<16xf32>
      %and3A_390 = arith.andi %and3A_386, %gt3A_389 : vector<16xi1>
      %lt3A_391 = arith.constant 4.000000e+00 : f32
      %lt3A_392 = vector.broadcast %lt3A_391 : f32 to vector<16xf32>
      %lt3A_393 = arith.cmpf olt, %get3A_371, %lt3A_392 : vector<16xf32>
      %and3A_394 = arith.andi %and3A_390, %lt3A_393 : vector<16xi1>
      %lt3A_395 = arith.constant 25000 : i32
      %lt3A_396 = vector.broadcast %lt3A_395 : i32 to vector<16xi32>
      %lt3A_397 = arith.cmpi slt, %add3A_365, %lt3A_396 : vector<16xi32>
      %and3A_398 = arith.andi %and3A_394, %lt3A_397 : vector<16xi1>
      %sub3A_399 = arith.constant 0.000000e+00 : f32
      %sub3A_400 = vector.broadcast %sub3A_399 : f32 to vector<16xf32>
      %sub3A_401 = arith.subf %get3A_367, %sub3A_400 : vector<16xf32>
      %mul3A_402 = arith.constant 4.000000e+00 : f32
      %mul3A_403 = vector.broadcast %mul3A_402 : f32 to vector<16xf32>
      %mul3A_404 = arith.mulf %sub3A_401, %mul3A_403 : vector<16xf32>
      %convert_element_type3A_405 = arith.fptosi %mul3A_404 : vector<16xf32> to vector<16xi32>
      %sub3A_406 = arith.constant 4.000000e+01 : f32
      %sub3A_407 = vector.broadcast %sub3A_406 : f32 to vector<16xf32>
      %sub3A_408 = arith.subf %sub3A_407, %get3A_369 : vector<16xf32>
      %mul3A_409 = arith.constant 4.000000e+00 : f32
      %mul3A_410 = vector.broadcast %mul3A_409 : f32 to vector<16xf32>
      %mul3A_411 = arith.mulf %sub3A_408, %mul3A_410 : vector<16xf32>
      %convert_element_type3A_412 = arith.fptosi %mul3A_411 : vector<16xf32> to vector<16xi32>
      %sub3A_413 = arith.constant -2.000000e+00 : f32
      %sub3A_414 = vector.broadcast %sub3A_413 : f32 to vector<16xf32>
      %sub3A_415 = arith.subf %get3A_371, %sub3A_414 : vector<16xf32>
      %mul3A_416 = arith.constant 4.000000e+00 : f32
      %mul3A_417 = vector.broadcast %mul3A_416 : f32 to vector<16xf32>
      %mul3A_418 = arith.mulf %sub3A_415, %mul3A_417 : vector<16xf32>
      %convert_element_type3A_419 = arith.fptosi %mul3A_418 : vector<16xf32> to vector<16xi32>
      %mul3A_420 = arith.constant 320 : i32
      %mul3A_421 = vector.broadcast %mul3A_420 : i32 to vector<16xi32>
      %mul3A_422 = arith.muli %convert_element_type3A_419, %mul3A_421 : vector<16xi32>
      %add3A_423 = arith.addi %mul3A_422, %convert_element_type3A_412 : vector<16xi32>
      %mul3A_424 = arith.constant 320 : i32
      %mul3A_425 = vector.broadcast %mul3A_424 : i32 to vector<16xi32>
      %mul3A_426 = arith.muli %add3A_423, %mul3A_425 : vector<16xi32>
      %add3A_427 = arith.addi %mul3A_426, %convert_element_type3A_405 : vector<16xi32>
      %mul3A_428 = arith.constant 2658304 : i32
      %mul3A_429 = arith.muli %add3A, %mul3A_428 : i32
      %add3A_430 = vector.broadcast %mul3A_429 : i32 to vector<16xi32>
      %add3A_431 = arith.addi %add3A_427, %add3A_430 : vector<16xi32>
      %swap3A_432 = arith.index_cast %add3A_359 : i32 to index
      %swap3A_433 = tpu.vector_load %arg7[%swap3A_432] masked %and3A_398 {strides = array<i32>} : memref<25104xi32, #tpu.memory_space<vmem>>, vector<16xi32>, vector<16xi1>
      tpu.vector_store %arg7[%swap3A_432], %add3A_431 masked %and3A_398 {strides = array<i32>} : memref<25104xi32, #tpu.memory_space<vmem>>, vector<16xi32>, vector<16xi1>
      %convert_element_type3A_434 = arith.extui %and3A_398 : vector<16xi1> to vector<16xi32>
      %reduce_sum3A_435 = arith.constant true
      %reduce_sum3A_436 = vector.broadcast %reduce_sum3A_435 : i1 to vector<16xi1>
      %reduce_sum3A_437 = tpu.scan <sum>, %convert_element_type3A_434 masked %reduce_sum3A_436 : vector<16xi32>, vector<16xi1> -> vector<16xi32>
      %reduce_sum3A_438 = vector.extract %reduce_sum3A_437[15] : i32 from vector<16xi32>
      %add3A_439 = arith.addi %add3A_359, %reduce_sum3A_438 : i32
      %mul3A_440 = arith.constant 128 : i32
      %mul3A_441 = arith.muli %scan3A_203, %mul3A_440 : i32
      %add3A_442 = arith.constant 48 : i32
      %add3A_443 = arith.addi %mul3A_441, %add3A_442 : i32
      %add3A_444 = vector.broadcast %add3A_443 : i32 to vector<16xi32>
      %add3A_445 = arith.addi %add3A_444, %iota3A : vector<16xi32>
      %get3A_446 = arith.index_cast %add3A_443 : i32 to index
      %get3A_447 = tpu.vector_load %arg4[%get3A_446] {strides = array<i32>} : memref<25088xf32, #tpu.memory_space<vmem>>, vector<16xf32>,
      %get3A_448 = arith.index_cast %add3A_443 : i32 to index
      %get3A_449 = tpu.vector_load %arg5[%get3A_448] {strides = array<i32>} : memref<25088xf32, #tpu.memory_space<vmem>>, vector<16xf32>,
      %get3A_450 = arith.index_cast %add3A_443 : i32 to index
      %get3A_451 = tpu.vector_load %arg6[%get3A_450] {strides = array<i32>} : memref<25088xf32, #tpu.memory_space<vmem>>, vector<16xf32>,
      %gt3A_452 = arith.constant 0.000000e+00 : f32
      %gt3A_453 = vector.broadcast %gt3A_452 : f32 to vector<16xf32>
      %gt3A_454 = arith.cmpf ogt, %get3A_447, %gt3A_453 : vector<16xf32>
      %lt3A_455 = arith.constant 8.000000e+01 : f32
      %lt3A_456 = vector.broadcast %lt3A_455 : f32 to vector<16xf32>
      %lt3A_457 = arith.cmpf olt, %get3A_447, %lt3A_456 : vector<16xf32>
      %and3A_458 = arith.andi %gt3A_454, %lt3A_457 : vector<16xi1>
      %gt3A_459 = arith.constant -4.000000e+01 : f32
      %gt3A_460 = vector.broadcast %gt3A_459 : f32 to vector<16xf32>
      %gt3A_461 = arith.cmpf ogt, %get3A_449, %gt3A_460 : vector<16xf32>
      %and3A_462 = arith.andi %and3A_458, %gt3A_461 : vector<16xi1>
      %lt3A_463 = arith.constant 4.000000e+01 : f32
      %lt3A_464 = vector.broadcast %lt3A_463 : f32 to vector<16xf32>
      %lt3A_465 = arith.cmpf olt, %get3A_449, %lt3A_464 : vector<16xf32>
      %and3A_466 = arith.andi %and3A_462, %lt3A_465 : vector<16xi1>
      %gt3A_467 = arith.constant -2.000000e+00 : f32
      %gt3A_468 = vector.broadcast %gt3A_467 : f32 to vector<16xf32>
      %gt3A_469 = arith.cmpf ogt, %get3A_451, %gt3A_468 : vector<16xf32>
      %and3A_470 = arith.andi %and3A_466, %gt3A_469 : vector<16xi1>
      %lt3A_471 = arith.constant 4.000000e+00 : f32
      %lt3A_472 = vector.broadcast %lt3A_471 : f32 to vector<16xf32>
      %lt3A_473 = arith.cmpf olt, %get3A_451, %lt3A_472 : vector<16xf32>
      %and3A_474 = arith.andi %and3A_470, %lt3A_473 : vector<16xi1>
      %lt3A_475 = arith.constant 25000 : i32
      %lt3A_476 = vector.broadcast %lt3A_475 : i32 to vector<16xi32>
      %lt3A_477 = arith.cmpi slt, %add3A_445, %lt3A_476 : vector<16xi32>
      %and3A_478 = arith.andi %and3A_474, %lt3A_477 : vector<16xi1>
      %sub3A_479 = arith.constant 0.000000e+00 : f32
      %sub3A_480 = vector.broadcast %sub3A_479 : f32 to vector<16xf32>
      %sub3A_481 = arith.subf %get3A_447, %sub3A_480 : vector<16xf32>
      %mul3A_482 = arith.constant 4.000000e+00 : f32
      %mul3A_483 = vector.broadcast %mul3A_482 : f32 to vector<16xf32>
      %mul3A_484 = arith.mulf %sub3A_481, %mul3A_483 : vector<16xf32>
      %convert_element_type3A_485 = arith.fptosi %mul3A_484 : vector<16xf32> to vector<16xi32>
      %sub3A_486 = arith.constant 4.000000e+01 : f32
      %sub3A_487 = vector.broadcast %sub3A_486 : f32 to vector<16xf32>
      %sub3A_488 = arith.subf %sub3A_487, %get3A_449 : vector<16xf32>
      %mul3A_489 = arith.constant 4.000000e+00 : f32
      %mul3A_490 = vector.broadcast %mul3A_489 : f32 to vector<16xf32>
      %mul3A_491 = arith.mulf %sub3A_488, %mul3A_490 : vector<16xf32>
      %convert_element_type3A_492 = arith.fptosi %mul3A_491 : vector<16xf32> to vector<16xi32>
      %sub3A_493 = arith.constant -2.000000e+00 : f32
      %sub3A_494 = vector.broadcast %sub3A_493 : f32 to vector<16xf32>
      %sub3A_495 = arith.subf %get3A_451, %sub3A_494 : vector<16xf32>
      %mul3A_496 = arith.constant 4.000000e+00 : f32
      %mul3A_497 = vector.broadcast %mul3A_496 : f32 to vector<16xf32>
      %mul3A_498 = arith.mulf %sub3A_495, %mul3A_497 : vector<16xf32>
      %convert_element_type3A_499 = arith.fptosi %mul3A_498 : vector<16xf32> to vector<16xi32>
      %mul3A_500 = arith.constant 320 : i32
      %mul3A_501 = vector.broadcast %mul3A_500 : i32 to vector<16xi32>
      %mul3A_502 = arith.muli %convert_element_type3A_499, %mul3A_501 : vector<16xi32>
      %add3A_503 = arith.addi %mul3A_502, %convert_element_type3A_492 : vector<16xi32>
      %mul3A_504 = arith.constant 320 : i32
      %mul3A_505 = vector.broadcast %mul3A_504 : i32 to vector<16xi32>
      %mul3A_506 = arith.muli %add3A_503, %mul3A_505 : vector<16xi32>
      %add3A_507 = arith.addi %mul3A_506, %convert_element_type3A_485 : vector<16xi32>
      %mul3A_508 = arith.constant 2658304 : i32
      %mul3A_509 = arith.muli %add3A, %mul3A_508 : i32
      %add3A_510 = vector.broadcast %mul3A_509 : i32 to vector<16xi32>
      %add3A_511 = arith.addi %add3A_507, %add3A_510 : vector<16xi32>
      %swap3A_512 = arith.index_cast %add3A_439 : i32 to index
      %swap3A_513 = tpu.vector_load %arg7[%swap3A_512] masked %and3A_478 {strides = array<i32>} : memref<25104xi32, #tpu.memory_space<vmem>>, vector<16xi32>, vector<16xi1>
      tpu.vector_store %arg7[%swap3A_512], %add3A_511 masked %and3A_478 {strides = array<i32>} : memref<25104xi32, #tpu.memory_space<vmem>>, vector<16xi32>, vector<16xi1>
      %convert_element_type3A_514 = arith.extui %and3A_478 : vector<16xi1> to vector<16xi32>
      %reduce_sum3A_515 = arith.constant true
      %reduce_sum3A_516 = vector.broadcast %reduce_sum3A_515 : i1 to vector<16xi1>
      %reduce_sum3A_517 = tpu.scan <sum>, %convert_element_type3A_514 masked %reduce_sum3A_516 : vector<16xi32>, vector<16xi1> -> vector<16xi32>
      %reduce_sum3A_518 = vector.extract %reduce_sum3A_517[15] : i32 from vector<16xi32>
      %add3A_519 = arith.addi %add3A_439, %reduce_sum3A_518 : i32
      %mul3A_520 = arith.constant 128 : i32
      %mul3A_521 = arith.muli %scan3A_203, %mul3A_520 : i32
      %add3A_522 = arith.constant 64 : i32
      %add3A_523 = arith.addi %mul3A_521, %add3A_522 : i32
      %add3A_524 = vector.broadcast %add3A_523 : i32 to vector<16xi32>
      %add3A_525 = arith.addi %add3A_524, %iota3A : vector<16xi32>
      %get3A_526 = arith.index_cast %add3A_523 : i32 to index
      %get3A_527 = tpu.vector_load %arg4[%get3A_526] {strides = array<i32>} : memref<25088xf32, #tpu.memory_space<vmem>>, vector<16xf32>,
      %get3A_528 = arith.index_cast %add3A_523 : i32 to index
      %get3A_529 = tpu.vector_load %arg5[%get3A_528] {strides = array<i32>} : memref<25088xf32, #tpu.memory_space<vmem>>, vector<16xf32>,
      %get3A_530 = arith.index_cast %add3A_523 : i32 to index
      %get3A_531 = tpu.vector_load %arg6[%get3A_530] {strides = array<i32>} : memref<25088xf32, #tpu.memory_space<vmem>>, vector<16xf32>,
      %gt3A_532 = arith.constant 0.000000e+00 : f32
      %gt3A_533 = vector.broadcast %gt3A_532 : f32 to vector<16xf32>
      %gt3A_534 = arith.cmpf ogt, %get3A_527, %gt3A_533 : vector<16xf32>
      %lt3A_535 = arith.constant 8.000000e+01 : f32
      %lt3A_536 = vector.broadcast %lt3A_535 : f32 to vector<16xf32>
      %lt3A_537 = arith.cmpf olt, %get3A_527, %lt3A_536 : vector<16xf32>
      %and3A_538 = arith.andi %gt3A_534, %lt3A_537 : vector<16xi1>
      %gt3A_539 = arith.constant -4.000000e+01 : f32
      %gt3A_540 = vector.broadcast %gt3A_539 : f32 to vector<16xf32>
      %gt3A_541 = arith.cmpf ogt, %get3A_529, %gt3A_540 : vector<16xf32>
      %and3A_542 = arith.andi %and3A_538, %gt3A_541 : vector<16xi1>
      %lt3A_543 = arith.constant 4.000000e+01 : f32
      %lt3A_544 = vector.broadcast %lt3A_543 : f32 to vector<16xf32>
      %lt3A_545 = arith.cmpf olt, %get3A_529, %lt3A_544 : vector<16xf32>
      %and3A_546 = arith.andi %and3A_542, %lt3A_545 : vector<16xi1>
      %gt3A_547 = arith.constant -2.000000e+00 : f32
      %gt3A_548 = vector.broadcast %gt3A_547 : f32 to vector<16xf32>
      %gt3A_549 = arith.cmpf ogt, %get3A_531, %gt3A_548 : vector<16xf32>
      %and3A_550 = arith.andi %and3A_546, %gt3A_549 : vector<16xi1>
      %lt3A_551 = arith.constant 4.000000e+00 : f32
      %lt3A_552 = vector.broadcast %lt3A_551 : f32 to vector<16xf32>
      %lt3A_553 = arith.cmpf olt, %get3A_531, %lt3A_552 : vector<16xf32>
      %and3A_554 = arith.andi %and3A_550, %lt3A_553 : vector<16xi1>
      %lt3A_555 = arith.constant 25000 : i32
      %lt3A_556 = vector.broadcast %lt3A_555 : i32 to vector<16xi32>
      %lt3A_557 = arith.cmpi slt, %add3A_525, %lt3A_556 : vector<16xi32>
      %and3A_558 = arith.andi %and3A_554, %lt3A_557 : vector<16xi1>
      %sub3A_559 = arith.constant 0.000000e+00 : f32
      %sub3A_560 = vector.broadcast %sub3A_559 : f32 to vector<16xf32>
      %sub3A_561 = arith.subf %get3A_527, %sub3A_560 : vector<16xf32>
      %mul3A_562 = arith.constant 4.000000e+00 : f32
      %mul3A_563 = vector.broadcast %mul3A_562 : f32 to vector<16xf32>
      %mul3A_564 = arith.mulf %sub3A_561, %mul3A_563 : vector<16xf32>
      %convert_element_type3A_565 = arith.fptosi %mul3A_564 : vector<16xf32> to vector<16xi32>
      %sub3A_566 = arith.constant 4.000000e+01 : f32
      %sub3A_567 = vector.broadcast %sub3A_566 : f32 to vector<16xf32>
      %sub3A_568 = arith.subf %sub3A_567, %get3A_529 : vector<16xf32>
      %mul3A_569 = arith.constant 4.000000e+00 : f32
      %mul3A_570 = vector.broadcast %mul3A_569 : f32 to vector<16xf32>
      %mul3A_571 = arith.mulf %sub3A_568, %mul3A_570 : vector<16xf32>
      %convert_element_type3A_572 = arith.fptosi %mul3A_571 : vector<16xf32> to vector<16xi32>
      %sub3A_573 = arith.constant -2.000000e+00 : f32
      %sub3A_574 = vector.broadcast %sub3A_573 : f32 to vector<16xf32>
      %sub3A_575 = arith.subf %get3A_531, %sub3A_574 : vector<16xf32>
      %mul3A_576 = arith.constant 4.000000e+00 : f32
      %mul3A_577 = vector.broadcast %mul3A_576 : f32 to vector<16xf32>
      %mul3A_578 = arith.mulf %sub3A_575, %mul3A_577 : vector<16xf32>
      %convert_element_type3A_579 = arith.fptosi %mul3A_578 : vector<16xf32> to vector<16xi32>
      %mul3A_580 = arith.constant 320 : i32
      %mul3A_581 = vector.broadcast %mul3A_580 : i32 to vector<16xi32>
      %mul3A_582 = arith.muli %convert_element_type3A_579, %mul3A_581 : vector<16xi32>
      %add3A_583 = arith.addi %mul3A_582, %convert_element_type3A_572 : vector<16xi32>
      %mul3A_584 = arith.constant 320 : i32
      %mul3A_585 = vector.broadcast %mul3A_584 : i32 to vector<16xi32>
      %mul3A_586 = arith.muli %add3A_583, %mul3A_585 : vector<16xi32>
      %add3A_587 = arith.addi %mul3A_586, %convert_element_type3A_565 : vector<16xi32>
      %mul3A_588 = arith.constant 2658304 : i32
      %mul3A_589 = arith.muli %add3A, %mul3A_588 : i32
      %add3A_590 = vector.broadcast %mul3A_589 : i32 to vector<16xi32>
      %add3A_591 = arith.addi %add3A_587, %add3A_590 : vector<16xi32>
      %swap3A_592 = arith.index_cast %add3A_519 : i32 to index
      %swap3A_593 = tpu.vector_load %arg7[%swap3A_592] masked %and3A_558 {strides = array<i32>} : memref<25104xi32, #tpu.memory_space<vmem>>, vector<16xi32>, vector<16xi1>
      tpu.vector_store %arg7[%swap3A_592], %add3A_591 masked %and3A_558 {strides = array<i32>} : memref<25104xi32, #tpu.memory_space<vmem>>, vector<16xi32>, vector<16xi1>
      %convert_element_type3A_594 = arith.extui %and3A_558 : vector<16xi1> to vector<16xi32>
      %reduce_sum3A_595 = arith.constant true
      %reduce_sum3A_596 = vector.broadcast %reduce_sum3A_595 : i1 to vector<16xi1>
      %reduce_sum3A_597 = tpu.scan <sum>, %convert_element_type3A_594 masked %reduce_sum3A_596 : vector<16xi32>, vector<16xi1> -> vector<16xi32>
      %reduce_sum3A_598 = vector.extract %reduce_sum3A_597[15] : i32 from vector<16xi32>
      %add3A_599 = arith.addi %add3A_519, %reduce_sum3A_598 : i32
      %mul3A_600 = arith.constant 128 : i32
      %mul3A_601 = arith.muli %scan3A_203, %mul3A_600 : i32
      %add3A_602 = arith.constant 80 : i32
      %add3A_603 = arith.addi %mul3A_601, %add3A_602 : i32
      %add3A_604 = vector.broadcast %add3A_603 : i32 to vector<16xi32>
      %add3A_605 = arith.addi %add3A_604, %iota3A : vector<16xi32>
      %get3A_606 = arith.index_cast %add3A_603 : i32 to index
      %get3A_607 = tpu.vector_load %arg4[%get3A_606] {strides = array<i32>} : memref<25088xf32, #tpu.memory_space<vmem>>, vector<16xf32>,
      %get3A_608 = arith.index_cast %add3A_603 : i32 to index
      %get3A_609 = tpu.vector_load %arg5[%get3A_608] {strides = array<i32>} : memref<25088xf32, #tpu.memory_space<vmem>>, vector<16xf32>,
      %get3A_610 = arith.index_cast %add3A_603 : i32 to index
      %get3A_611 = tpu.vector_load %arg6[%get3A_610] {strides = array<i32>} : memref<25088xf32, #tpu.memory_space<vmem>>, vector<16xf32>,
      %gt3A_612 = arith.constant 0.000000e+00 : f32
      %gt3A_613 = vector.broadcast %gt3A_612 : f32 to vector<16xf32>
      %gt3A_614 = arith.cmpf ogt, %get3A_607, %gt3A_613 : vector<16xf32>
      %lt3A_615 = arith.constant 8.000000e+01 : f32
      %lt3A_616 = vector.broadcast %lt3A_615 : f32 to vector<16xf32>
      %lt3A_617 = arith.cmpf olt, %get3A_607, %lt3A_616 : vector<16xf32>
      %and3A_618 = arith.andi %gt3A_614, %lt3A_617 : vector<16xi1>
      %gt3A_619 = arith.constant -4.000000e+01 : f32
      %gt3A_620 = vector.broadcast %gt3A_619 : f32 to vector<16xf32>
      %gt3A_621 = arith.cmpf ogt, %get3A_609, %gt3A_620 : vector<16xf32>
      %and3A_622 = arith.andi %and3A_618, %gt3A_621 : vector<16xi1>
      %lt3A_623 = arith.constant 4.000000e+01 : f32
      %lt3A_624 = vector.broadcast %lt3A_623 : f32 to vector<16xf32>
      %lt3A_625 = arith.cmpf olt, %get3A_609, %lt3A_624 : vector<16xf32>
      %and3A_626 = arith.andi %and3A_622, %lt3A_625 : vector<16xi1>
      %gt3A_627 = arith.constant -2.000000e+00 : f32
      %gt3A_628 = vector.broadcast %gt3A_627 : f32 to vector<16xf32>
      %gt3A_629 = arith.cmpf ogt, %get3A_611, %gt3A_628 : vector<16xf32>
      %and3A_630 = arith.andi %and3A_626, %gt3A_629 : vector<16xi1>
      %lt3A_631 = arith.constant 4.000000e+00 : f32
      %lt3A_632 = vector.broadcast %lt3A_631 : f32 to vector<16xf32>
      %lt3A_633 = arith.cmpf olt, %get3A_611, %lt3A_632 : vector<16xf32>
      %and3A_634 = arith.andi %and3A_630, %lt3A_633 : vector<16xi1>
      %lt3A_635 = arith.constant 25000 : i32
      %lt3A_636 = vector.broadcast %lt3A_635 : i32 to vector<16xi32>
      %lt3A_637 = arith.cmpi slt, %add3A_605, %lt3A_636 : vector<16xi32>
      %and3A_638 = arith.andi %and3A_634, %lt3A_637 : vector<16xi1>
      %sub3A_639 = arith.constant 0.000000e+00 : f32
      %sub3A_640 = vector.broadcast %sub3A_639 : f32 to vector<16xf32>
      %sub3A_641 = arith.subf %get3A_607, %sub3A_640 : vector<16xf32>
      %mul3A_642 = arith.constant 4.000000e+00 : f32
      %mul3A_643 = vector.broadcast %mul3A_642 : f32 to vector<16xf32>
      %mul3A_644 = arith.mulf %sub3A_641, %mul3A_643 : vector<16xf32>
      %convert_element_type3A_645 = arith.fptosi %mul3A_644 : vector<16xf32> to vector<16xi32>
      %sub3A_646 = arith.constant 4.000000e+01 : f32
      %sub3A_647 = vector.broadcast %sub3A_646 : f32 to vector<16xf32>
      %sub3A_648 = arith.subf %sub3A_647, %get3A_609 : vector<16xf32>
      %mul3A_649 = arith.constant 4.000000e+00 : f32
      %mul3A_650 = vector.broadcast %mul3A_649 : f32 to vector<16xf32>
      %mul3A_651 = arith.mulf %sub3A_648, %mul3A_650 : vector<16xf32>
      %convert_element_type3A_652 = arith.fptosi %mul3A_651 : vector<16xf32> to vector<16xi32>
      %sub3A_653 = arith.constant -2.000000e+00 : f32
      %sub3A_654 = vector.broadcast %sub3A_653 : f32 to vector<16xf32>
      %sub3A_655 = arith.subf %get3A_611, %sub3A_654 : vector<16xf32>
      %mul3A_656 = arith.constant 4.000000e+00 : f32
      %mul3A_657 = vector.broadcast %mul3A_656 : f32 to vector<16xf32>
      %mul3A_658 = arith.mulf %sub3A_655, %mul3A_657 : vector<16xf32>
      %convert_element_type3A_659 = arith.fptosi %mul3A_658 : vector<16xf32> to vector<16xi32>
      %mul3A_660 = arith.constant 320 : i32
      %mul3A_661 = vector.broadcast %mul3A_660 : i32 to vector<16xi32>
      %mul3A_662 = arith.muli %convert_element_type3A_659, %mul3A_661 : vector<16xi32>
      %add3A_663 = arith.addi %mul3A_662, %convert_element_type3A_652 : vector<16xi32>
      %mul3A_664 = arith.constant 320 : i32
      %mul3A_665 = vector.broadcast %mul3A_664 : i32 to vector<16xi32>
      %mul3A_666 = arith.muli %add3A_663, %mul3A_665 : vector<16xi32>
      %add3A_667 = arith.addi %mul3A_666, %convert_element_type3A_645 : vector<16xi32>
      %mul3A_668 = arith.constant 2658304 : i32
      %mul3A_669 = arith.muli %add3A, %mul3A_668 : i32
      %add3A_670 = vector.broadcast %mul3A_669 : i32 to vector<16xi32>
      %add3A_671 = arith.addi %add3A_667, %add3A_670 : vector<16xi32>
      %swap3A_672 = arith.index_cast %add3A_599 : i32 to index
      %swap3A_673 = tpu.vector_load %arg7[%swap3A_672] masked %and3A_638 {strides = array<i32>} : memref<25104xi32, #tpu.memory_space<vmem>>, vector<16xi32>, vector<16xi1>
      tpu.vector_store %arg7[%swap3A_672], %add3A_671 masked %and3A_638 {strides = array<i32>} : memref<25104xi32, #tpu.memory_space<vmem>>, vector<16xi32>, vector<16xi1>
      %convert_element_type3A_674 = arith.extui %and3A_638 : vector<16xi1> to vector<16xi32>
      %reduce_sum3A_675 = arith.constant true
      %reduce_sum3A_676 = vector.broadcast %reduce_sum3A_675 : i1 to vector<16xi1>
      %reduce_sum3A_677 = tpu.scan <sum>, %convert_element_type3A_674 masked %reduce_sum3A_676 : vector<16xi32>, vector<16xi1> -> vector<16xi32>
      %reduce_sum3A_678 = vector.extract %reduce_sum3A_677[15] : i32 from vector<16xi32>
      %add3A_679 = arith.addi %add3A_599, %reduce_sum3A_678 : i32
      %mul3A_680 = arith.constant 128 : i32
      %mul3A_681 = arith.muli %scan3A_203, %mul3A_680 : i32
      %add3A_682 = arith.constant 96 : i32
      %add3A_683 = arith.addi %mul3A_681, %add3A_682 : i32
      %add3A_684 = vector.broadcast %add3A_683 : i32 to vector<16xi32>
      %add3A_685 = arith.addi %add3A_684, %iota3A : vector<16xi32>
      %get3A_686 = arith.index_cast %add3A_683 : i32 to index
      %get3A_687 = tpu.vector_load %arg4[%get3A_686] {strides = array<i32>} : memref<25088xf32, #tpu.memory_space<vmem>>, vector<16xf32>,
      %get3A_688 = arith.index_cast %add3A_683 : i32 to index
      %get3A_689 = tpu.vector_load %arg5[%get3A_688] {strides = array<i32>} : memref<25088xf32, #tpu.memory_space<vmem>>, vector<16xf32>,
      %get3A_690 = arith.index_cast %add3A_683 : i32 to index
      %get3A_691 = tpu.vector_load %arg6[%get3A_690] {strides = array<i32>} : memref<25088xf32, #tpu.memory_space<vmem>>, vector<16xf32>,
      %gt3A_692 = arith.constant 0.000000e+00 : f32
      %gt3A_693 = vector.broadcast %gt3A_692 : f32 to vector<16xf32>
      %gt3A_694 = arith.cmpf ogt, %get3A_687, %gt3A_693 : vector<16xf32>
      %lt3A_695 = arith.constant 8.000000e+01 : f32
      %lt3A_696 = vector.broadcast %lt3A_695 : f32 to vector<16xf32>
      %lt3A_697 = arith.cmpf olt, %get3A_687, %lt3A_696 : vector<16xf32>
      %and3A_698 = arith.andi %gt3A_694, %lt3A_697 : vector<16xi1>
      %gt3A_699 = arith.constant -4.000000e+01 : f32
      %gt3A_700 = vector.broadcast %gt3A_699 : f32 to vector<16xf32>
      %gt3A_701 = arith.cmpf ogt, %get3A_689, %gt3A_700 : vector<16xf32>
      %and3A_702 = arith.andi %and3A_698, %gt3A_701 : vector<16xi1>
      %lt3A_703 = arith.constant 4.000000e+01 : f32
      %lt3A_704 = vector.broadcast %lt3A_703 : f32 to vector<16xf32>
      %lt3A_705 = arith.cmpf olt, %get3A_689, %lt3A_704 : vector<16xf32>
      %and3A_706 = arith.andi %and3A_702, %lt3A_705 : vector<16xi1>
      %gt3A_707 = arith.constant -2.000000e+00 : f32
      %gt3A_708 = vector.broadcast %gt3A_707 : f32 to vector<16xf32>
      %gt3A_709 = arith.cmpf ogt, %get3A_691, %gt3A_708 : vector<16xf32>
      %and3A_710 = arith.andi %and3A_706, %gt3A_709 : vector<16xi1>
      %lt3A_711 = arith.constant 4.000000e+00 : f32
      %lt3A_712 = vector.broadcast %lt3A_711 : f32 to vector<16xf32>
      %lt3A_713 = arith.cmpf olt, %get3A_691, %lt3A_712 : vector<16xf32>
      %and3A_714 = arith.andi %and3A_710, %lt3A_713 : vector<16xi1>
      %lt3A_715 = arith.constant 25000 : i32
      %lt3A_716 = vector.broadcast %lt3A_715 : i32 to vector<16xi32>
      %lt3A_717 = arith.cmpi slt, %add3A_685, %lt3A_716 : vector<16xi32>
      %and3A_718 = arith.andi %and3A_714, %lt3A_717 : vector<16xi1>
      %sub3A_719 = arith.constant 0.000000e+00 : f32
      %sub3A_720 = vector.broadcast %sub3A_719 : f32 to vector<16xf32>
      %sub3A_721 = arith.subf %get3A_687, %sub3A_720 : vector<16xf32>
      %mul3A_722 = arith.constant 4.000000e+00 : f32
      %mul3A_723 = vector.broadcast %mul3A_722 : f32 to vector<16xf32>
      %mul3A_724 = arith.mulf %sub3A_721, %mul3A_723 : vector<16xf32>
      %convert_element_type3A_725 = arith.fptosi %mul3A_724 : vector<16xf32> to vector<16xi32>
      %sub3A_726 = arith.constant 4.000000e+01 : f32
      %sub3A_727 = vector.broadcast %sub3A_726 : f32 to vector<16xf32>
      %sub3A_728 = arith.subf %sub3A_727, %get3A_689 : vector<16xf32>
      %mul3A_729 = arith.constant 4.000000e+00 : f32
      %mul3A_730 = vector.broadcast %mul3A_729 : f32 to vector<16xf32>
      %mul3A_731 = arith.mulf %sub3A_728, %mul3A_730 : vector<16xf32>
      %convert_element_type3A_732 = arith.fptosi %mul3A_731 : vector<16xf32> to vector<16xi32>
      %sub3A_733 = arith.constant -2.000000e+00 : f32
      %sub3A_734 = vector.broadcast %sub3A_733 : f32 to vector<16xf32>
      %sub3A_735 = arith.subf %get3A_691, %sub3A_734 : vector<16xf32>
      %mul3A_736 = arith.constant 4.000000e+00 : f32
      %mul3A_737 = vector.broadcast %mul3A_736 : f32 to vector<16xf32>
      %mul3A_738 = arith.mulf %sub3A_735, %mul3A_737 : vector<16xf32>
      %convert_element_type3A_739 = arith.fptosi %mul3A_738 : vector<16xf32> to vector<16xi32>
      %mul3A_740 = arith.constant 320 : i32
      %mul3A_741 = vector.broadcast %mul3A_740 : i32 to vector<16xi32>
      %mul3A_742 = arith.muli %convert_element_type3A_739, %mul3A_741 : vector<16xi32>
      %add3A_743 = arith.addi %mul3A_742, %convert_element_type3A_732 : vector<16xi32>
      %mul3A_744 = arith.constant 320 : i32
      %mul3A_745 = vector.broadcast %mul3A_744 : i32 to vector<16xi32>
      %mul3A_746 = arith.muli %add3A_743, %mul3A_745 : vector<16xi32>
      %add3A_747 = arith.addi %mul3A_746, %convert_element_type3A_725 : vector<16xi32>
      %mul3A_748 = arith.constant 2658304 : i32
      %mul3A_749 = arith.muli %add3A, %mul3A_748 : i32
      %add3A_750 = vector.broadcast %mul3A_749 : i32 to vector<16xi32>
      %add3A_751 = arith.addi %add3A_747, %add3A_750 : vector<16xi32>
      %swap3A_752 = arith.index_cast %add3A_679 : i32 to index
      %swap3A_753 = tpu.vector_load %arg7[%swap3A_752] masked %and3A_718 {strides = array<i32>} : memref<25104xi32, #tpu.memory_space<vmem>>, vector<16xi32>, vector<16xi1>
      tpu.vector_store %arg7[%swap3A_752], %add3A_751 masked %and3A_718 {strides = array<i32>} : memref<25104xi32, #tpu.memory_space<vmem>>, vector<16xi32>, vector<16xi1>
      %convert_element_type3A_754 = arith.extui %and3A_718 : vector<16xi1> to vector<16xi32>
      %reduce_sum3A_755 = arith.constant true
      %reduce_sum3A_756 = vector.broadcast %reduce_sum3A_755 : i1 to vector<16xi1>
      %reduce_sum3A_757 = tpu.scan <sum>, %convert_element_type3A_754 masked %reduce_sum3A_756 : vector<16xi32>, vector<16xi1> -> vector<16xi32>
      %reduce_sum3A_758 = vector.extract %reduce_sum3A_757[15] : i32 from vector<16xi32>
      %add3A_759 = arith.addi %add3A_679, %reduce_sum3A_758 : i32
      %mul3A_760 = arith.constant 128 : i32
      %mul3A_761 = arith.muli %scan3A_203, %mul3A_760 : i32
      %add3A_762 = arith.constant 112 : i32
      %add3A_763 = arith.addi %mul3A_761, %add3A_762 : i32
      %add3A_764 = vector.broadcast %add3A_763 : i32 to vector<16xi32>
      %add3A_765 = arith.addi %add3A_764, %iota3A : vector<16xi32>
      %get3A_766 = arith.index_cast %add3A_763 : i32 to index
      %get3A_767 = tpu.vector_load %arg4[%get3A_766] {strides = array<i32>} : memref<25088xf32, #tpu.memory_space<vmem>>, vector<16xf32>,
      %get3A_768 = arith.index_cast %add3A_763 : i32 to index
      %get3A_769 = tpu.vector_load %arg5[%get3A_768] {strides = array<i32>} : memref<25088xf32, #tpu.memory_space<vmem>>, vector<16xf32>,
      %get3A_770 = arith.index_cast %add3A_763 : i32 to index
      %get3A_771 = tpu.vector_load %arg6[%get3A_770] {strides = array<i32>} : memref<25088xf32, #tpu.memory_space<vmem>>, vector<16xf32>,
      %gt3A_772 = arith.constant 0.000000e+00 : f32
      %gt3A_773 = vector.broadcast %gt3A_772 : f32 to vector<16xf32>
      %gt3A_774 = arith.cmpf ogt, %get3A_767, %gt3A_773 : vector<16xf32>
      %lt3A_775 = arith.constant 8.000000e+01 : f32
      %lt3A_776 = vector.broadcast %lt3A_775 : f32 to vector<16xf32>
      %lt3A_777 = arith.cmpf olt, %get3A_767, %lt3A_776 : vector<16xf32>
      %and3A_778 = arith.andi %gt3A_774, %lt3A_777 : vector<16xi1>
      %gt3A_779 = arith.constant -4.000000e+01 : f32
      %gt3A_780 = vector.broadcast %gt3A_779 : f32 to vector<16xf32>
      %gt3A_781 = arith.cmpf ogt, %get3A_769, %gt3A_780 : vector<16xf32>
      %and3A_782 = arith.andi %and3A_778, %gt3A_781 : vector<16xi1>
      %lt3A_783 = arith.constant 4.000000e+01 : f32
      %lt3A_784 = vector.broadcast %lt3A_783 : f32 to vector<16xf32>
      %lt3A_785 = arith.cmpf olt, %get3A_769, %lt3A_784 : vector<16xf32>
      %and3A_786 = arith.andi %and3A_782, %lt3A_785 : vector<16xi1>
      %gt3A_787 = arith.constant -2.000000e+00 : f32
      %gt3A_788 = vector.broadcast %gt3A_787 : f32 to vector<16xf32>
      %gt3A_789 = arith.cmpf ogt, %get3A_771, %gt3A_788 : vector<16xf32>
      %and3A_790 = arith.andi %and3A_786, %gt3A_789 : vector<16xi1>
      %lt3A_791 = arith.constant 4.000000e+00 : f32
      %lt3A_792 = vector.broadcast %lt3A_791 : f32 to vector<16xf32>
      %lt3A_793 = arith.cmpf olt, %get3A_771, %lt3A_792 : vector<16xf32>
      %and3A_794 = arith.andi %and3A_790, %lt3A_793 : vector<16xi1>
      %lt3A_795 = arith.constant 25000 : i32
      %lt3A_796 = vector.broadcast %lt3A_795 : i32 to vector<16xi32>
      %lt3A_797 = arith.cmpi slt, %add3A_765, %lt3A_796 : vector<16xi32>
      %and3A_798 = arith.andi %and3A_794, %lt3A_797 : vector<16xi1>
      %sub3A_799 = arith.constant 0.000000e+00 : f32
      %sub3A_800 = vector.broadcast %sub3A_799 : f32 to vector<16xf32>
      %sub3A_801 = arith.subf %get3A_767, %sub3A_800 : vector<16xf32>
      %mul3A_802 = arith.constant 4.000000e+00 : f32
      %mul3A_803 = vector.broadcast %mul3A_802 : f32 to vector<16xf32>
      %mul3A_804 = arith.mulf %sub3A_801, %mul3A_803 : vector<16xf32>
      %convert_element_type3A_805 = arith.fptosi %mul3A_804 : vector<16xf32> to vector<16xi32>
      %sub3A_806 = arith.constant 4.000000e+01 : f32
      %sub3A_807 = vector.broadcast %sub3A_806 : f32 to vector<16xf32>
      %sub3A_808 = arith.subf %sub3A_807, %get3A_769 : vector<16xf32>
      %mul3A_809 = arith.constant 4.000000e+00 : f32
      %mul3A_810 = vector.broadcast %mul3A_809 : f32 to vector<16xf32>
      %mul3A_811 = arith.mulf %sub3A_808, %mul3A_810 : vector<16xf32>
      %convert_element_type3A_812 = arith.fptosi %mul3A_811 : vector<16xf32> to vector<16xi32>
      %sub3A_813 = arith.constant -2.000000e+00 : f32
      %sub3A_814 = vector.broadcast %sub3A_813 : f32 to vector<16xf32>
      %sub3A_815 = arith.subf %get3A_771, %sub3A_814 : vector<16xf32>
      %mul3A_816 = arith.constant 4.000000e+00 : f32
      %mul3A_817 = vector.broadcast %mul3A_816 : f32 to vector<16xf32>
      %mul3A_818 = arith.mulf %sub3A_815, %mul3A_817 : vector<16xf32>
      %convert_element_type3A_819 = arith.fptosi %mul3A_818 : vector<16xf32> to vector<16xi32>
      %mul3A_820 = arith.constant 320 : i32
      %mul3A_821 = vector.broadcast %mul3A_820 : i32 to vector<16xi32>
      %mul3A_822 = arith.muli %convert_element_type3A_819, %mul3A_821 : vector<16xi32>
      %add3A_823 = arith.addi %mul3A_822, %convert_element_type3A_812 : vector<16xi32>
      %mul3A_824 = arith.constant 320 : i32
      %mul3A_825 = vector.broadcast %mul3A_824 : i32 to vector<16xi32>
      %mul3A_826 = arith.muli %add3A_823, %mul3A_825 : vector<16xi32>
      %add3A_827 = arith.addi %mul3A_826, %convert_element_type3A_805 : vector<16xi32>
      %mul3A_828 = arith.constant 2658304 : i32
      %mul3A_829 = arith.muli %add3A, %mul3A_828 : i32
      %add3A_830 = vector.broadcast %mul3A_829 : i32 to vector<16xi32>
      %add3A_831 = arith.addi %add3A_827, %add3A_830 : vector<16xi32>
      %swap3A_832 = arith.index_cast %add3A_759 : i32 to index
      %swap3A_833 = tpu.vector_load %arg7[%swap3A_832] masked %and3A_798 {strides = array<i32>} : memref<25104xi32, #tpu.memory_space<vmem>>, vector<16xi32>, vector<16xi1>
      tpu.vector_store %arg7[%swap3A_832], %add3A_831 masked %and3A_798 {strides = array<i32>} : memref<25104xi32, #tpu.memory_space<vmem>>, vector<16xi32>, vector<16xi1>
      %convert_element_type3A_834 = arith.extui %and3A_798 : vector<16xi1> to vector<16xi32>
      %reduce_sum3A_835 = arith.constant true
      %reduce_sum3A_836 = vector.broadcast %reduce_sum3A_835 : i1 to vector<16xi1>
      %reduce_sum3A_837 = tpu.scan <sum>, %convert_element_type3A_834 masked %reduce_sum3A_836 : vector<16xi32>, vector<16xi1> -> vector<16xi32>
      %reduce_sum3A_838 = vector.extract %reduce_sum3A_837[15] : i32 from vector<16xi32>
      %add3A_839 = arith.addi %add3A_759, %reduce_sum3A_838 : i32
      scf.yield %add3A_839 : i32
    }
    %scan3A_112 = arith.constant 196 : i32
    %add3A_113 = arith.constant 127 : i32
    %add3A_114 = arith.addi %scan3A_111, %add3A_113 : i32
    %jit3A_115 = arith.constant 128 : i32
    %div3A_116 = arith.divsi %add3A_114, %jit3A_115 : i32
    %sign3A_117 = arith.constant 0 : i32
    %sign3A_118 = arith.cmpi sgt, %add3A_114, %sign3A_117 : i32
    %sign3A_119 = arith.extui %sign3A_118 : i1 to i32
    %sign3A_120 = arith.constant 0 : i32
    %sign3A_121 = arith.cmpi slt, %add3A_114, %sign3A_120 : i32
    %sign3A_122 = arith.extui %sign3A_121 : i1 to i32
    %sign3A_123 = arith.subi %sign3A_119, %sign3A_122 : i32
    %sign3A_124 = arith.constant 0 : i32
    %sign3A_125 = arith.cmpi sgt, %jit3A_115, %sign3A_124 : i32
    %sign3A_126 = arith.extui %sign3A_125 : i1 to i32
    %sign3A_127 = arith.constant 0 : i32
    %sign3A_128 = arith.cmpi slt, %jit3A_115, %sign3A_127 : i32
    %sign3A_129 = arith.extui %sign3A_128 : i1 to i32
    %sign3A_130 = arith.subi %sign3A_126, %sign3A_129 : i32
    %ne3A_131 = arith.cmpi ne, %sign3A_123, %sign3A_130 : i32
    %rem3A_132 = arith.remsi %add3A_114, %jit3A_115 : i32
    %ne3A_133 = arith.constant 0 : i32
    %ne3A_134 = arith.cmpi ne, %rem3A_132, %ne3A_133 : i32
    %and3A_135 = arith.andi %ne3A_131, %ne3A_134 : i1
    %sub3A_136 = arith.constant 1 : i32
    %sub3A_137 = arith.subi %div3A_116, %sub3A_136 : i32
    %select_n3A_138 = arith.select %and3A_135, %sub3A_137, %div3A_116 : i32
    %mul3A_139 = arith.constant 128 : i32
    %mul3A_140 = arith.muli %select_n3A_138, %mul3A_139 : i32
    %sub3A_141 = arith.subi %mul3A_140, %scan3A_111 : i32
    %add3A_142 = arith.constant 15 : i32
    %add3A_143 = arith.addi %sub3A_141, %add3A_142 : i32
    %jit3A_144 = arith.constant 16 : i32
    %div3A_145 = arith.divsi %add3A_143, %jit3A_144 : i32
    %sign3A_146 = arith.constant 0 : i32
    %sign3A_147 = arith.cmpi sgt, %add3A_143, %sign3A_146 : i32
    %sign3A_148 = arith.extui %sign3A_147 : i1 to i32
    %sign3A_149 = arith.constant 0 : i32
    %sign3A_150 = arith.cmpi slt, %add3A_143, %sign3A_149 : i32
    %sign3A_151 = arith.extui %sign3A_150 : i1 to i32
    %sign3A_152 = arith.subi %sign3A_148, %sign3A_151 : i32
    %sign3A_153 = arith.constant 0 : i32
    %sign3A_154 = arith.cmpi sgt, %jit3A_144, %sign3A_153 : i32
    %sign3A_155 = arith.extui %sign3A_154 : i1 to i32
    %sign3A_156 = arith.constant 0 : i32
    %sign3A_157 = arith.cmpi slt, %jit3A_144, %sign3A_156 : i32
    %sign3A_158 = arith.extui %sign3A_157 : i1 to i32
    %sign3A_159 = arith.subi %sign3A_155, %sign3A_158 : i32
    %ne3A_160 = arith.cmpi ne, %sign3A_152, %sign3A_159 : i32
    %rem3A_161 = arith.remsi %add3A_143, %jit3A_144 : i32
    %ne3A_162 = arith.constant 0 : i32
    %ne3A_163 = arith.cmpi ne, %rem3A_161, %ne3A_162 : i32
    %and3A_164 = arith.andi %ne3A_160, %ne3A_163 : i1
    %sub3A_165 = arith.constant 1 : i32
    %sub3A_166 = arith.subi %div3A_145, %sub3A_165 : i32
    %select_n3A_167 = arith.select %and3A_164, %sub3A_166, %div3A_145 : i32
    %while3A = arith.constant 0 : i32
    %while3A_168 = arith.constant 0 : i32
    %while3A_169 = arith.subi %select_n3A_167, %while3A_168 : i32
    %while3A_170 = arith.addi %while3A_168, %while3A_169 : i32
    %while3A_171 = arith.constant 1 : i32
    %while3A_172 = arith.divsi %while3A_169, %while3A_171 : i32
    %while3A_173 = arith.muli %while3A_172, %while3A_171 : i32
    %while3A_174 = arith.addi %while3A_168, %while3A_173 : i32
    %while3A_175 = arith.constant 1 : i32
    scf.for %while3A_203 = %while3A_168 to %while3A_174 step %while3A_175  : i32 {
      %mul3A_204 = arith.constant 16 : i32
      %mul3A_205 = arith.muli %while3A_203, %mul3A_204 : i32
      %add3A_206 = vector.broadcast %mul3A_205 : i32 to vector<16xi32>
      %add3A_207 = arith.addi %add3A_206, %iota3A : vector<16xi32>
      %mul3A_208 = arith.constant 16 : i32
      %mul3A_209 = vector.broadcast %mul3A_208 : i32 to vector<16xi32>
      %mul3A_210 = arith.muli %add3A_207, %mul3A_209 : vector<16xi32>
      %add3A_211 = vector.broadcast %add3A_105 : i32 to vector<16xi32>
      %add3A_212 = arith.addi %add3A_211, %mul3A_210 : vector<16xi32>
      %mul3A_213 = arith.constant 16 : i32
      %mul3A_214 = arith.muli %while3A_203, %mul3A_213 : i32
      %add3A_215 = arith.addi %scan3A_111, %mul3A_214 : i32
      %swap3A = arith.index_cast %add3A_215 : i32 to index
      %swap3A_216 = tpu.vector_load %arg7[%swap3A] {strides = array<i32>} : memref<25104xi32, #tpu.memory_space<vmem>>, vector<16xi32>,
      tpu.vector_store %arg7[%swap3A], %add3A_212 {strides = array<i32>} : memref<25104xi32, #tpu.memory_space<vmem>>, vector<16xi32>,
    }
    %while3A_176 = arith.constant 1 : i32
    scf.for %while3A_203 = %while3A_174 to %while3A_170 step %while3A_176  : i32 {
      %mul3A_204 = arith.constant 16 : i32
      %mul3A_205 = arith.muli %while3A_203, %mul3A_204 : i32
      %add3A_206 = vector.broadcast %mul3A_205 : i32 to vector<16xi32>
      %add3A_207 = arith.addi %add3A_206, %iota3A : vector<16xi32>
      %mul3A_208 = arith.constant 16 : i32
      %mul3A_209 = vector.broadcast %mul3A_208 : i32 to vector<16xi32>
      %mul3A_210 = arith.muli %add3A_207, %mul3A_209 : vector<16xi32>
      %add3A_211 = vector.broadcast %add3A_105 : i32 to vector<16xi32>
      %add3A_212 = arith.addi %add3A_211, %mul3A_210 : vector<16xi32>
      %mul3A_213 = arith.constant 16 : i32
      %mul3A_214 = arith.muli %while3A_203, %mul3A_213 : i32
      %add3A_215 = arith.addi %scan3A_111, %mul3A_214 : i32
      %swap3A = arith.index_cast %add3A_215 : i32 to index
      %swap3A_216 = tpu.vector_load %arg7[%swap3A] {strides = array<i32>} : memref<25104xi32, #tpu.memory_space<vmem>>, vector<16xi32>,
      tpu.vector_store %arg7[%swap3A], %add3A_212 {strides = array<i32>} : memref<25104xi32, #tpu.memory_space<vmem>>, vector<16xi32>,
    }
    %scan3A_177 = arith.constant 0 : i32
    %scan3A_178 = arith.constant 0 : i32
    %scan3A_179 = arith.constant 38 : i32
    %scan3A_180 = arith.addi %scan3A_178, %scan3A_179 : i32
    %scan3A_181 = arith.constant 1 : i32
    scf.for %scan3A_203 = %scan3A_178 to %scan3A_180 step %scan3A_181  : i32 {
      %mul3A_204 = arith.constant 8192 : i32
      %mul3A_205 = arith.muli %scan3A_203, %mul3A_204 : i32
      %add3A_206 = arith.addi %add3A_67, %mul3A_205 : i32
      %dma_wait3A_207 = tpu.memref_slice %arg3[%add3A_206] : memref<10633216xi32, #tpu.memory_space<hbm>> -> memref<8192xi32, #tpu.memory_space<hbm>>
      %dma_wait3A_208 = tpu.memref_slice %arg3[%add3A_206] : memref<10633216xi32, #tpu.memory_space<hbm>> -> memref<8192xi32, #tpu.memory_space<hbm>>
      tpu.wait_dma2 semaphore(%arg11 : memref<!tpu.dma_semaphore, #tpu.memory_space<semaphore_mem>>) src(%arg9 : memref<8192xi32, #tpu.memory_space<vmem>>) dst(%dma_wait3A_208 : memref<8192xi32, #tpu.memory_space<hbm>>)
    }
    %scan3A_182 = arith.constant 38 : i32
    %barrier3A = arith.constant 0 : index
    tpu.barrier barrier_id(%barrier3A)
    %while3A_183 = arith.constant 0 : i32
    %while3A_184 = arith.constant 0 : i32
    %while3A_185 = arith.subi %select_n3A_138, %while3A_184 : i32
    %while3A_186 = arith.addi %while3A_184, %while3A_185 : i32
    %while3A_187 = arith.constant 1 : i32
    %while3A_188 = arith.divsi %while3A_185, %while3A_187 : i32
    %while3A_189 = arith.muli %while3A_188, %while3A_187 : i32
    %while3A_190 = arith.addi %while3A_184, %while3A_189 : i32
    %while3A_191 = arith.constant 1 : i32
    scf.for %while3A_203 = %while3A_184 to %while3A_190 step %while3A_191  : i32 {
      %mul3A_204 = arith.constant 128 : i32
      %mul3A_205 = arith.muli %while3A_203, %mul3A_204 : i32
      %dma_start3A_206 = tpu.memref_slice %arg7[%mul3A_205] : memref<25104xi32, #tpu.memory_space<vmem>> -> memref<128xi32, #tpu.memory_space<vmem>>
      %dma_start3A_207 = arith.constant 0 : i32
      %dma_start3A_208 = tpu.memref_slice %arg3[%dma_start3A_207] : memref<10633216xi32, #tpu.memory_space<hbm>> -> memref<10633216xi32, #tpu.memory_space<hbm>>
      tpu.enqueue_indirect_dma source(%arg8 : memref<128xi32, #tpu.memory_space<vmem>>) target(%dma_start3A_208 : memref<10633216xi32, #tpu.memory_space<hbm>>) offsets(%dma_start3A_206 : memref<128xi32, #tpu.memory_space<vmem>>) semaphore(%arg12 : memref<!tpu.dma_semaphore, #tpu.memory_space<semaphore_mem>>)
    }
    %while3A_192 = arith.constant 1 : i32
    scf.for %while3A_203 = %while3A_190 to %while3A_186 step %while3A_192  : i32 {
      %mul3A_204 = arith.constant 128 : i32
      %mul3A_205 = arith.muli %while3A_203, %mul3A_204 : i32
      %dma_start3A_206 = tpu.memref_slice %arg7[%mul3A_205] : memref<25104xi32, #tpu.memory_space<vmem>> -> memref<128xi32, #tpu.memory_space<vmem>>
      %dma_start3A_207 = arith.constant 0 : i32
      %dma_start3A_208 = tpu.memref_slice %arg3[%dma_start3A_207] : memref<10633216xi32, #tpu.memory_space<hbm>> -> memref<10633216xi32, #tpu.memory_space<hbm>>
      tpu.enqueue_indirect_dma source(%arg8 : memref<128xi32, #tpu.memory_space<vmem>>) target(%dma_start3A_208 : memref<10633216xi32, #tpu.memory_space<hbm>>) offsets(%dma_start3A_206 : memref<128xi32, #tpu.memory_space<vmem>>) semaphore(%arg12 : memref<!tpu.dma_semaphore, #tpu.memory_space<semaphore_mem>>)
    }
    %while3A_193 = arith.constant 0 : i32
    %while3A_194 = arith.constant 0 : i32
    %while3A_195 = arith.subi %select_n3A_138, %while3A_194 : i32
    %while3A_196 = arith.addi %while3A_194, %while3A_195 : i32
    %while3A_197 = arith.constant 1 : i32
    %while3A_198 = arith.divsi %while3A_195, %while3A_197 : i32
    %while3A_199 = arith.muli %while3A_198, %while3A_197 : i32
    %while3A_200 = arith.addi %while3A_194, %while3A_199 : i32
    %while3A_201 = arith.constant 1 : i32
    scf.for %while3A_203 = %while3A_194 to %while3A_200 step %while3A_201  : i32 {
      %mul3A_204 = arith.constant 128 : i32
      %mul3A_205 = arith.muli %while3A_203, %mul3A_204 : i32
      %dma_wait3A_206 = tpu.memref_slice %arg7[%mul3A_205] : memref<25104xi32, #tpu.memory_space<vmem>> -> memref<128xi32, #tpu.memory_space<vmem>>
      %dma_wait3A_207 = arith.constant 0 : i32
      %dma_wait3A_208 = tpu.memref_slice %arg3[%dma_wait3A_207] : memref<10633216xi32, #tpu.memory_space<hbm>> -> memref<10633216xi32, #tpu.memory_space<hbm>>
      tpu.wait_indirect_dma semaphore(%arg12 : memref<!tpu.dma_semaphore, #tpu.memory_space<semaphore_mem>>) src(%arg8 : memref<128xi32, #tpu.memory_space<vmem>>) dst(%dma_wait3A_208 : memref<10633216xi32, #tpu.memory_space<hbm>>)
    }
    %while3A_202 = arith.constant 1 : i32
    scf.for %while3A_203 = %while3A_200 to %while3A_196 step %while3A_202  : i32 {
      %mul3A_204 = arith.constant 128 : i32
      %mul3A_205 = arith.muli %while3A_203, %mul3A_204 : i32
      %dma_wait3A_206 = tpu.memref_slice %arg7[%mul3A_205] : memref<25104xi32, #tpu.memory_space<vmem>> -> memref<128xi32, #tpu.memory_space<vmem>>
      %dma_wait3A_207 = arith.constant 0 : i32
      %dma_wait3A_208 = tpu.memref_slice %arg3[%dma_wait3A_207] : memref<10633216xi32, #tpu.memory_space<hbm>> -> memref<10633216xi32, #tpu.memory_space<hbm>>
      tpu.wait_indirect_dma semaphore(%arg12 : memref<!tpu.dma_semaphore, #tpu.memory_space<semaphore_mem>>) src(%arg8 : memref<128xi32, #tpu.memory_space<vmem>>) dst(%dma_wait3A_208 : memref<10633216xi32, #tpu.memory_space<hbm>>)
    }
    return
  }
}

#map = affine_map<(d0, d1) -> (0)>
module attributes {stable_mosaic.version = 14 : i64} {
  func.func @_pack_body(%arg0: i32, %arg1: i32, %arg2: memref<10633216xi32, #tpu.memory_space<hbm>>, %arg3: memref<2457600xi32, #tpu.memory_space<hbm>>, %arg4: memref<6144xi32, #tpu.memory_space<vmem>>, %arg5: memref<6144xi32, #tpu.memory_space<vmem>>, %arg6: memref<1536xi32, #tpu.memory_space<vmem>>, %arg7: memref<1536xi32, #tpu.memory_space<vmem>>, %arg8: memref<!tpu.dma_semaphore, #tpu.memory_space<semaphore_mem>>, %arg9: memref<!tpu.dma_semaphore, #tpu.memory_space<semaphore_mem>>, %arg10: memref<!tpu.dma_semaphore, #tpu.memory_space<semaphore_mem>>) attributes {dimension_semantics = [#tpu.dimension_semantics<core_parallel>, #tpu.dimension_semantics<subcore_parallel>], iteration_bounds = array<i64: 2, 16>, scalar_prefetch = 0 : i64, scratch_operands = 7 : i64, tpu.core_type = #tpu.core_type<sc_vector_subcore>, window_params = [{transform_indices = #map}, {transform_indices = #map}]} {
    %mul3A = arith.constant 2 : i32
    %mul3A_0 = arith.muli %arg0, %mul3A : i32
    %jit3A = arith.constant 8 : i32
    %div3A = arith.divsi %arg1, %jit3A : i32
    %sign3A = arith.constant 0 : i32
    %sign3A_1 = arith.cmpi sgt, %arg1, %sign3A : i32
    %sign3A_2 = arith.extui %sign3A_1 : i1 to i32
    %sign3A_3 = arith.constant 0 : i32
    %sign3A_4 = arith.cmpi slt, %arg1, %sign3A_3 : i32
    %sign3A_5 = arith.extui %sign3A_4 : i1 to i32
    %sign3A_6 = arith.subi %sign3A_2, %sign3A_5 : i32
    %sign3A_7 = arith.constant 0 : i32
    %sign3A_8 = arith.cmpi sgt, %jit3A, %sign3A_7 : i32
    %sign3A_9 = arith.extui %sign3A_8 : i1 to i32
    %sign3A_10 = arith.constant 0 : i32
    %sign3A_11 = arith.cmpi slt, %jit3A, %sign3A_10 : i32
    %sign3A_12 = arith.extui %sign3A_11 : i1 to i32
    %sign3A_13 = arith.subi %sign3A_9, %sign3A_12 : i32
    %ne3A = arith.cmpi ne, %sign3A_6, %sign3A_13 : i32
    %rem3A = arith.remsi %arg1, %jit3A : i32
    %ne3A_14 = arith.constant 0 : i32
    %ne3A_15 = arith.cmpi ne, %rem3A, %ne3A_14 : i32
    %and3A = arith.andi %ne3A, %ne3A_15 : i1
    %sub3A = arith.constant 1 : i32
    %sub3A_16 = arith.subi %div3A, %sub3A : i32
    %select_n3A = arith.select %and3A, %sub3A_16, %div3A : i32
    %add3A = arith.addi %mul3A_0, %select_n3A : i32
    %jit3A_17 = arith.constant 8 : i32
    %eq3A = arith.constant 0 : i32
    %eq3A_18 = arith.cmpi eq, %jit3A_17, %eq3A : i32
    %jit3A_19 = arith.constant 1 : i32
    %select_n3A_20 = arith.select %eq3A_18, %jit3A_19, %jit3A_17 : i32
    %rem3A_21 = arith.remsi %arg1, %select_n3A_20 : i32
    %ne3A_22 = arith.constant 0 : i32
    %ne3A_23 = arith.cmpi ne, %rem3A_21, %ne3A_22 : i32
    %lt3A = arith.constant 0 : i32
    %lt3A_24 = arith.cmpi slt, %rem3A_21, %lt3A : i32
    %lt3A_25 = arith.constant 0 : i32
    %lt3A_26 = arith.cmpi slt, %select_n3A_20, %lt3A_25 : i32
    %ne3A_27 = arith.xori %lt3A_24, %lt3A_26 : i1
    %and3A_28 = arith.andi %ne3A_27, %ne3A_23 : i1
    %add3A_29 = arith.addi %rem3A_21, %select_n3A_20 : i32
    %select_n3A_30 = arith.select %and3A_28, %add3A_29, %rem3A_21 : i32
    %iota3A = tpu.iota {dimensions = array<i32: 0>} : vector<16xi32>
    %mul3A_31 = arith.constant 2658304 : i32
    %mul3A_32 = arith.muli %add3A, %mul3A_31 : i32
    %mul3A_33 = arith.constant 307200 : i32
    %mul3A_34 = arith.muli %select_n3A_30, %mul3A_33 : i32
    %add3A_35 = arith.addi %mul3A_32, %mul3A_34 : i32
    %mul3A_36 = arith.constant 614400 : i32
    %mul3A_37 = arith.muli %add3A, %mul3A_36 : i32
    %mul3A_38 = arith.constant 76800 : i32
    %mul3A_39 = arith.muli %select_n3A_30, %mul3A_38 : i32
    %add3A_40 = arith.addi %mul3A_37, %mul3A_39 : i32
    %mul3A_41 = arith.constant 4 : i32
    %mul3A_42 = vector.broadcast %mul3A_41 : i32 to vector<16xi32>
    %mul3A_43 = arith.muli %iota3A, %mul3A_42 : vector<16xi32>
    %add3A_44 = arith.constant 0 : i32
    %add3A_45 = arith.addi %add3A_35, %add3A_44 : i32
    %dma_start3A = tpu.memref_slice %arg2[%add3A_45] : memref<10633216xi32, #tpu.memory_space<hbm>> -> memref<6144xi32, #tpu.memory_space<hbm>>
    %dma_start3A_46 = tpu.memref_slice %arg2[%add3A_45] : memref<10633216xi32, #tpu.memory_space<hbm>> -> memref<6144xi32, #tpu.memory_space<hbm>>
    tpu.enqueue_dma source(%dma_start3A_46 : memref<6144xi32, #tpu.memory_space<hbm>>) target(%arg4 : memref<6144xi32, #tpu.memory_space<vmem>>) target_semaphore(%arg8 : memref<!tpu.dma_semaphore, #tpu.memory_space<semaphore_mem>>)
    %scan3A = arith.constant 0 : i32
    %scan3A_47 = arith.constant 0 : i32
    %scan3A_48 = arith.constant 25 : i32
    %scan3A_49 = arith.addi %scan3A_47, %scan3A_48 : i32
    %scan3A_50 = arith.constant 1 : i32
    scf.for %scan3A_59 = %scan3A_47 to %scan3A_49 step %scan3A_50  : i32 {
      %mul3A_60 = arith.constant 2 : i32
      %mul3A_61 = arith.muli %mul3A_60, %scan3A_59 : i32
      %add3A_62 = arith.constant 1 : i32
      %add3A_63 = arith.addi %mul3A_61, %add3A_62 : i32
      %mul3A_64 = arith.constant 6144 : i32
      %mul3A_65 = arith.muli %add3A_63, %mul3A_64 : i32
      %add3A_66 = arith.addi %add3A_35, %mul3A_65 : i32
      %dma_start3A_67 = tpu.memref_slice %arg2[%add3A_66] : memref<10633216xi32, #tpu.memory_space<hbm>> -> memref<6144xi32, #tpu.memory_space<hbm>>
      %dma_start3A_68 = tpu.memref_slice %arg2[%add3A_66] : memref<10633216xi32, #tpu.memory_space<hbm>> -> memref<6144xi32, #tpu.memory_space<hbm>>
      tpu.enqueue_dma source(%dma_start3A_68 : memref<6144xi32, #tpu.memory_space<hbm>>) target(%arg5 : memref<6144xi32, #tpu.memory_space<vmem>>) target_semaphore(%arg9 : memref<!tpu.dma_semaphore, #tpu.memory_space<semaphore_mem>>)
      %mul3A_69 = arith.constant 6144 : i32
      %mul3A_70 = arith.muli %mul3A_61, %mul3A_69 : i32
      %add3A_71 = arith.addi %add3A_35, %mul3A_70 : i32
      %dma_wait3A_72 = tpu.memref_slice %arg2[%add3A_71] : memref<10633216xi32, #tpu.memory_space<hbm>> -> memref<6144xi32, #tpu.memory_space<hbm>>
      %dma_wait3A_73 = tpu.memref_slice %arg2[%add3A_71] : memref<10633216xi32, #tpu.memory_space<hbm>> -> memref<6144xi32, #tpu.memory_space<hbm>>
      tpu.wait_dma2 semaphore(%arg8 : memref<!tpu.dma_semaphore, #tpu.memory_space<semaphore_mem>>) src(%dma_wait3A_73 : memref<6144xi32, #tpu.memory_space<hbm>>) dst(%arg4 : memref<6144xi32, #tpu.memory_space<vmem>>)
      %ge3A = arith.constant 1 : i32
      %ge3A_74 = arith.cmpi sge, %scan3A_59, %ge3A : i32
      %convert_element_type3A = arith.extui %ge3A_74 : i1 to i32
      %cond3A = arith.constant 0 : i32
      %cond3A_75 = arith.cmpi ne, %convert_element_type3A, %cond3A : i32
      scf.if %cond3A_75 {
        %add3A_112 = arith.constant 0 : i32
        %add3A_113 = arith.addi %add3A_40, %add3A_112 : i32
        %dma_wait3A_114 = tpu.memref_slice %arg3[%add3A_113] : memref<2457600xi32, #tpu.memory_space<hbm>> -> memref<1536xi32, #tpu.memory_space<hbm>>
        %dma_wait3A_115 = tpu.memref_slice %arg3[%add3A_113] : memref<2457600xi32, #tpu.memory_space<hbm>> -> memref<1536xi32, #tpu.memory_space<hbm>>
        tpu.wait_dma2 semaphore(%arg10 : memref<!tpu.dma_semaphore, #tpu.memory_space<semaphore_mem>>) src(%arg6 : memref<1536xi32, #tpu.memory_space<vmem>>) dst(%dma_wait3A_115 : memref<1536xi32, #tpu.memory_space<hbm>>)
        %add3A_116 = arith.constant 0 : i32
        %add3A_117 = arith.addi %add3A_40, %add3A_116 : i32
        %dma_wait3A_118 = tpu.memref_slice %arg3[%add3A_117] : memref<2457600xi32, #tpu.memory_space<hbm>> -> memref<1536xi32, #tpu.memory_space<hbm>>
        %dma_wait3A_119 = tpu.memref_slice %arg3[%add3A_117] : memref<2457600xi32, #tpu.memory_space<hbm>> -> memref<1536xi32, #tpu.memory_space<hbm>>
        tpu.wait_dma2 semaphore(%arg10 : memref<!tpu.dma_semaphore, #tpu.memory_space<semaphore_mem>>) src(%arg7 : memref<1536xi32, #tpu.memory_space<vmem>>) dst(%dma_wait3A_119 : memref<1536xi32, #tpu.memory_space<hbm>>)
      } else {
      }
      %scan3A_76 = arith.constant 0 : i32
      %scan3A_77 = arith.constant 0 : i32
      %scan3A_78 = arith.constant 96 : i32
      %scan3A_79 = arith.addi %scan3A_77, %scan3A_78 : i32
      %scan3A_80 = arith.constant 1 : i32
      scf.for %scan3A_112 = %scan3A_77 to %scan3A_79 step %scan3A_80  : i32 {
        %mul3A_113 = arith.constant 64 : i32
        %mul3A_114 = arith.muli %scan3A_112, %mul3A_113 : i32
        %add3A_115 = vector.broadcast %mul3A_114 : i32 to vector<16xi32>
        %add3A_116 = arith.addi %add3A_115, %mul3A_43 : vector<16xi32>
        %gather3A = tpu.vector_load_idx %arg4[%add3A_116] : memref<6144xi32, #tpu.memory_space<vmem>>[vector<16xi32>], vector<16xi32>,
        %add3A_117 = arith.constant 1 : i32
        %add3A_118 = vector.broadcast %add3A_117 : i32 to vector<16xi32>
        %add3A_119 = arith.addi %add3A_116, %add3A_118 : vector<16xi32>
        %gather3A_120 = tpu.vector_load_idx %arg4[%add3A_119] : memref<6144xi32, #tpu.memory_space<vmem>>[vector<16xi32>], vector<16xi32>,
        %add3A_121 = arith.constant 2 : i32
        %add3A_122 = vector.broadcast %add3A_121 : i32 to vector<16xi32>
        %add3A_123 = arith.addi %add3A_116, %add3A_122 : vector<16xi32>
        %gather3A_124 = tpu.vector_load_idx %arg4[%add3A_123] : memref<6144xi32, #tpu.memory_space<vmem>>[vector<16xi32>], vector<16xi32>,
        %add3A_125 = arith.constant 3 : i32
        %add3A_126 = vector.broadcast %add3A_125 : i32 to vector<16xi32>
        %add3A_127 = arith.addi %add3A_116, %add3A_126 : vector<16xi32>
        %gather3A_128 = tpu.vector_load_idx %arg4[%add3A_127] : memref<6144xi32, #tpu.memory_space<vmem>>[vector<16xi32>], vector<16xi32>,
        %shift_left3A = arith.constant 8 : i32
        %shift_left3A_129 = vector.broadcast %shift_left3A : i32 to vector<16xi32>
        %shift_left3A_130 = arith.shli %gather3A_120, %shift_left3A_129 : vector<16xi32>
        %or3A = arith.ori %gather3A, %shift_left3A_130 : vector<16xi32>
        %shift_left3A_131 = arith.constant 16 : i32
        %shift_left3A_132 = vector.broadcast %shift_left3A_131 : i32 to vector<16xi32>
        %shift_left3A_133 = arith.shli %gather3A_124, %shift_left3A_132 : vector<16xi32>
        %or3A_134 = arith.ori %or3A, %shift_left3A_133 : vector<16xi32>
        %shift_left3A_135 = arith.constant 24 : i32
        %shift_left3A_136 = vector.broadcast %shift_left3A_135 : i32 to vector<16xi32>
        %shift_left3A_137 = arith.shli %gather3A_128, %shift_left3A_136 : vector<16xi32>
        %or3A_138 = arith.ori %or3A_134, %shift_left3A_137 : vector<16xi32>
        %mul3A_139 = arith.constant 16 : i32
        %mul3A_140 = arith.muli %scan3A_112, %mul3A_139 : i32
        %swap3A = arith.index_cast %mul3A_140 : i32 to index
        %swap3A_141 = tpu.vector_load %arg6[%swap3A] {strides = array<i32>} : memref<1536xi32, #tpu.memory_space<vmem>>, vector<16xi32>,
        tpu.vector_store %arg6[%swap3A], %or3A_138 {strides = array<i32>} : memref<1536xi32, #tpu.memory_space<vmem>>, vector<16xi32>,
      }
      %scan3A_81 = arith.constant 96 : i32
      %mul3A_82 = arith.constant 1536 : i32
      %mul3A_83 = arith.muli %mul3A_61, %mul3A_82 : i32
      %add3A_84 = arith.addi %add3A_40, %mul3A_83 : i32
      %dma_start3A_85 = tpu.memref_slice %arg3[%add3A_84] : memref<2457600xi32, #tpu.memory_space<hbm>> -> memref<1536xi32, #tpu.memory_space<hbm>>
      %dma_start3A_86 = tpu.memref_slice %arg3[%add3A_84] : memref<2457600xi32, #tpu.memory_space<hbm>> -> memref<1536xi32, #tpu.memory_space<hbm>>
      tpu.enqueue_dma source(%arg6 : memref<1536xi32, #tpu.memory_space<vmem>>) target(%dma_start3A_86 : memref<1536xi32, #tpu.memory_space<hbm>>) target_semaphore(%arg10 : memref<!tpu.dma_semaphore, #tpu.memory_space<semaphore_mem>>)
      %lt3A_87 = arith.constant 24 : i32
      %lt3A_88 = arith.cmpi slt, %scan3A_59, %lt3A_87 : i32
      %convert_element_type3A_89 = arith.extui %lt3A_88 : i1 to i32
      %cond3A_90 = arith.constant 0 : i32
      %cond3A_91 = arith.cmpi ne, %convert_element_type3A_89, %cond3A_90 : i32
      scf.if %cond3A_91 {
        %add3A_112 = arith.constant 2 : i32
        %add3A_113 = arith.addi %mul3A_61, %add3A_112 : i32
        %mul3A_114 = arith.constant 6144 : i32
        %mul3A_115 = arith.muli %add3A_113, %mul3A_114 : i32
        %add3A_116 = arith.addi %add3A_35, %mul3A_115 : i32
        %dma_start3A_117 = tpu.memref_slice %arg2[%add3A_116] : memref<10633216xi32, #tpu.memory_space<hbm>> -> memref<6144xi32, #tpu.memory_space<hbm>>
        %dma_start3A_118 = tpu.memref_slice %arg2[%add3A_116] : memref<10633216xi32, #tpu.memory_space<hbm>> -> memref<6144xi32, #tpu.memory_space<hbm>>
        tpu.enqueue_dma source(%dma_start3A_118 : memref<6144xi32, #tpu.memory_space<hbm>>) target(%arg4 : memref<6144xi32, #tpu.memory_space<vmem>>) target_semaphore(%arg8 : memref<!tpu.dma_semaphore, #tpu.memory_space<semaphore_mem>>)
      } else {
      }
      %add3A_92 = arith.constant 1 : i32
      %add3A_93 = arith.addi %mul3A_61, %add3A_92 : i32
      %mul3A_94 = arith.constant 6144 : i32
      %mul3A_95 = arith.muli %add3A_93, %mul3A_94 : i32
      %add3A_96 = arith.addi %add3A_35, %mul3A_95 : i32
      %dma_wait3A_97 = tpu.memref_slice %arg2[%add3A_96] : memref<10633216xi32, #tpu.memory_space<hbm>> -> memref<6144xi32, #tpu.memory_space<hbm>>
      %dma_wait3A_98 = tpu.memref_slice %arg2[%add3A_96] : memref<10633216xi32, #tpu.memory_space<hbm>> -> memref<6144xi32, #tpu.memory_space<hbm>>
      tpu.wait_dma2 semaphore(%arg9 : memref<!tpu.dma_semaphore, #tpu.memory_space<semaphore_mem>>) src(%dma_wait3A_98 : memref<6144xi32, #tpu.memory_space<hbm>>) dst(%arg5 : memref<6144xi32, #tpu.memory_space<vmem>>)
      %scan3A_99 = arith.constant 0 : i32
      %scan3A_100 = arith.constant 0 : i32
      %scan3A_101 = arith.constant 96 : i32
      %scan3A_102 = arith.addi %scan3A_100, %scan3A_101 : i32
      %scan3A_103 = arith.constant 1 : i32
      scf.for %scan3A_112 = %scan3A_100 to %scan3A_102 step %scan3A_103  : i32 {
        %mul3A_113 = arith.constant 64 : i32
        %mul3A_114 = arith.muli %scan3A_112, %mul3A_113 : i32
        %add3A_115 = vector.broadcast %mul3A_114 : i32 to vector<16xi32>
        %add3A_116 = arith.addi %add3A_115, %mul3A_43 : vector<16xi32>
        %gather3A = tpu.vector_load_idx %arg5[%add3A_116] : memref<6144xi32, #tpu.memory_space<vmem>>[vector<16xi32>], vector<16xi32>,
        %add3A_117 = arith.constant 1 : i32
        %add3A_118 = vector.broadcast %add3A_117 : i32 to vector<16xi32>
        %add3A_119 = arith.addi %add3A_116, %add3A_118 : vector<16xi32>
        %gather3A_120 = tpu.vector_load_idx %arg5[%add3A_119] : memref<6144xi32, #tpu.memory_space<vmem>>[vector<16xi32>], vector<16xi32>,
        %add3A_121 = arith.constant 2 : i32
        %add3A_122 = vector.broadcast %add3A_121 : i32 to vector<16xi32>
        %add3A_123 = arith.addi %add3A_116, %add3A_122 : vector<16xi32>
        %gather3A_124 = tpu.vector_load_idx %arg5[%add3A_123] : memref<6144xi32, #tpu.memory_space<vmem>>[vector<16xi32>], vector<16xi32>,
        %add3A_125 = arith.constant 3 : i32
        %add3A_126 = vector.broadcast %add3A_125 : i32 to vector<16xi32>
        %add3A_127 = arith.addi %add3A_116, %add3A_126 : vector<16xi32>
        %gather3A_128 = tpu.vector_load_idx %arg5[%add3A_127] : memref<6144xi32, #tpu.memory_space<vmem>>[vector<16xi32>], vector<16xi32>,
        %shift_left3A = arith.constant 8 : i32
        %shift_left3A_129 = vector.broadcast %shift_left3A : i32 to vector<16xi32>
        %shift_left3A_130 = arith.shli %gather3A_120, %shift_left3A_129 : vector<16xi32>
        %or3A = arith.ori %gather3A, %shift_left3A_130 : vector<16xi32>
        %shift_left3A_131 = arith.constant 16 : i32
        %shift_left3A_132 = vector.broadcast %shift_left3A_131 : i32 to vector<16xi32>
        %shift_left3A_133 = arith.shli %gather3A_124, %shift_left3A_132 : vector<16xi32>
        %or3A_134 = arith.ori %or3A, %shift_left3A_133 : vector<16xi32>
        %shift_left3A_135 = arith.constant 24 : i32
        %shift_left3A_136 = vector.broadcast %shift_left3A_135 : i32 to vector<16xi32>
        %shift_left3A_137 = arith.shli %gather3A_128, %shift_left3A_136 : vector<16xi32>
        %or3A_138 = arith.ori %or3A_134, %shift_left3A_137 : vector<16xi32>
        %mul3A_139 = arith.constant 16 : i32
        %mul3A_140 = arith.muli %scan3A_112, %mul3A_139 : i32
        %swap3A = arith.index_cast %mul3A_140 : i32 to index
        %swap3A_141 = tpu.vector_load %arg7[%swap3A] {strides = array<i32>} : memref<1536xi32, #tpu.memory_space<vmem>>, vector<16xi32>,
        tpu.vector_store %arg7[%swap3A], %or3A_138 {strides = array<i32>} : memref<1536xi32, #tpu.memory_space<vmem>>, vector<16xi32>,
      }
      %scan3A_104 = arith.constant 96 : i32
      %add3A_105 = arith.constant 1 : i32
      %add3A_106 = arith.addi %mul3A_61, %add3A_105 : i32
      %mul3A_107 = arith.constant 1536 : i32
      %mul3A_108 = arith.muli %add3A_106, %mul3A_107 : i32
      %add3A_109 = arith.addi %add3A_40, %mul3A_108 : i32
      %dma_start3A_110 = tpu.memref_slice %arg3[%add3A_109] : memref<2457600xi32, #tpu.memory_space<hbm>> -> memref<1536xi32, #tpu.memory_space<hbm>>
      %dma_start3A_111 = tpu.memref_slice %arg3[%add3A_109] : memref<2457600xi32, #tpu.memory_space<hbm>> -> memref<1536xi32, #tpu.memory_space<hbm>>
      tpu.enqueue_dma source(%arg7 : memref<1536xi32, #tpu.memory_space<vmem>>) target(%dma_start3A_111 : memref<1536xi32, #tpu.memory_space<hbm>>) target_semaphore(%arg10 : memref<!tpu.dma_semaphore, #tpu.memory_space<semaphore_mem>>)
    }
    %scan3A_51 = arith.constant 25 : i32
    %add3A_52 = arith.constant 0 : i32
    %add3A_53 = arith.addi %add3A_40, %add3A_52 : i32
    %dma_wait3A = tpu.memref_slice %arg3[%add3A_53] : memref<2457600xi32, #tpu.memory_space<hbm>> -> memref<1536xi32, #tpu.memory_space<hbm>>
    %dma_wait3A_54 = tpu.memref_slice %arg3[%add3A_53] : memref<2457600xi32, #tpu.memory_space<hbm>> -> memref<1536xi32, #tpu.memory_space<hbm>>
    tpu.wait_dma2 semaphore(%arg10 : memref<!tpu.dma_semaphore, #tpu.memory_space<semaphore_mem>>) src(%arg6 : memref<1536xi32, #tpu.memory_space<vmem>>) dst(%dma_wait3A_54 : memref<1536xi32, #tpu.memory_space<hbm>>)
    %add3A_55 = arith.constant 0 : i32
    %add3A_56 = arith.addi %add3A_40, %add3A_55 : i32
    %dma_wait3A_57 = tpu.memref_slice %arg3[%add3A_56] : memref<2457600xi32, #tpu.memory_space<hbm>> -> memref<1536xi32, #tpu.memory_space<hbm>>
    %dma_wait3A_58 = tpu.memref_slice %arg3[%add3A_56] : memref<2457600xi32, #tpu.memory_space<hbm>> -> memref<1536xi32, #tpu.memory_space<hbm>>
    tpu.wait_dma2 semaphore(%arg10 : memref<!tpu.dma_semaphore, #tpu.memory_space<semaphore_mem>>) src(%arg7 : memref<1536xi32, #tpu.memory_space<vmem>>) dst(%dma_wait3A_58 : memref<1536xi32, #tpu.memory_space<hbm>>)
    return
  }
}

</mosaic_0001>

<sc_bundles>
// kernel: kernel.4.cloned.1.call-start
scs
__scs_entry_jumppad:
0x0: {  	(pc) =	sbr.rel $0x88, $3  }
0x1: {  	(tag) =	ssettag $0x0;
	lr =	simm.s32 $0x1  }
0x2: {  	[smem:$0x3FA0] =	sst lr;
	_ =	strace $0xD0000000  }
0x3: {  	_ = 	snop  }
0x4: {  	_ = 	snop  }
0x5: {  	_ = 	snop  }
0x6: {  	_ = 	snop  }
0x7: {  	_ = 	snop  }
__scs_overlays_trampoline_lowered:
0x8: {  	[smem:$0x3FAF] =	sst s0  }
0x9: {  	[smem:$0x3FB0] =	sst s1  }
0xa: {  	[smem:$0x3FB1] =	sst s2  }
0xb: {  	[smem:$0x3FB2] =	sst s3  }
0xc: {  	[smem:$0x3FB3] =	sst s4  }
0xd: {  	[smem:$0x3FB4] =	sst s5  }
0xe: {  	[smem:$0x3FB5] =	sst s6  }
0xf: {  	[smem:$0x3FB6] =	sst s7  }
0x10: {  	[smem:$0x3FB7] =	sst s8  }
0x11: {  	[smem:$0x3FB8] =	sst s9;
	s0 =	simm.s32 @!p0 $0x0  }
0x12: {  	s1 =	sld [smem:$0x3F9E];
	s0 =	simm.s32 @p0 $0x1  }
0x13: {  	[smem:$0x3FB9] =	sst s0;
	s0 =	simm.s32 @!p1 $0x0  }
0x14: {  	s2 =	sld [smem:$0x3F9D];
	s0 =	simm.s32 @p1 $0x1  }
0x15: {  	[smem:$0x3FBA] =	sst s0;
	s0 =	simm.s32 @!p2 $0x0  }
0x16: {  	s3 =	sld [smem:$0x3FDB];
	s0 =	simm.s32 @p2 $0x1  }
0x17: {  	s4 =	simm.s32 $0x1BF5;
	[smem:$0x3FBC] =	sst s0  }
0x18: {  	s0 =	sld [smem:$0x3F9F];
	_ =	swait.ge [sflag:s4], $0x0  }
0x19: {  	s7 =	sld [smem:$0x3FA0]  }
0x1a: {  	s8 =	sadd.s32 $0xFFFFE003, lr  }
0x1b: {  	s9 =	sadd.s32 $0xFFFFFEF7, lr;
	s5 =	simm.s32 $0xFFFFFFFF;
	p2 =	slt.u32 s8, $0xFFFFF086  }
0x1c: {  	p1 =	slt.u32 s9, $0xF7A;
	s5 =	simm.s32 @!p2 $0x0  }
0x1d: {  	s5 =	simm.s32 @p1 $0x1;
	p0 =	seq.s32 s7, s2  }
0x1e: {  	s7 =	smul.u32 @!p0 $0xF7A, s2;
	p2 =	seq.s32 @!p0 s5, $0x0  }
0x1f: {  	s9 =	smul.u32 $0xF7A, s1;
	s8 =	simm.s32 @!p0 $0x1BF5;
	p2 =	por !p2, p0  }
0x20: {  	[sflag:s8] =	ssyncset.s32 @!p0 $0xFFFFF086;
	s6 =	sadd.s32 @!p0 s3, s7;
	s7 =	simm.s32 @!p0 $0x108  }
0x21: {  	s3 =	sadd.s32 s3, s9;
	s6 =	sadd.s32 @!p0 $0x88, s6;
	s7 =	simm.s32 @p2 $0x1082  }
0x22: {  	[simem:s7], [sflag:s8] =	dma.local @!p0 [hbm:s6], $0xF7A  }
0x23: {  	s9 =	sor.u32 $0xD0000000, s2;
	s6 =	simm.s32 $0x108;
	_ =	swait.ge @!p0 [sflag:s8], $0x0  }
0x24: {  	s3 =	sadd.s32 $0x88, s3;
	s6 =	simm.s32 @!p1 $0x1082;
	[sflag:s4] =	ssyncset.s32 $0xFFFFF086  }
0x25: {  	[simem:s6], [sflag:s4] =	dma.local [hbm:s3], $0xF7A  }
0x26: {  	[smem:$0x3FA0] =	sst s1;
	(tag) =	ssettag s2;
	_ =	strace s9  }
0x27: {  	s1 =	sld [smem:$0x3FB0]  }
0x28: {  	s2 =	sld [smem:$0x3FB1]  }
0x29: {  	s4 =	sld [smem:$0x3FB3]  }
0x2a: {  	p0 =	seq.s32 s5, $0x0;
	s5 =	sld [smem:$0x3FB4]  }
0x2b: {  	s6 =	sld [smem:$0x3FB5]  }
0x2c: {  	s7 =	sld [smem:$0x3FB6]  }
0x2d: {  	s3 =	simm.s32 $0x108;
	s8 =	sld [smem:$0x3FB7]  }
0x2e: {  	s3 =	simm.s32 @!p0 $0x1082;
	s9 =	sld [smem:$0x3FB8]  }
0x2f: {  	lr =	sadd.s32 s0, s3;
	s0 =	sld [smem:$0x3FAF]  }
0x30: {  	s3 =	sld [smem:$0x3FB2]  }
0x31: {  	[smem:$0x3FBB] =	sst s10  }
0x32: {  	s10 =	sld [smem:$0x3FB9];
	_ =	sdelay $0x3  }
0x33: {  	p0 =	seq.s32 s10, $0x1;
	s10 =	sld [smem:$0x3FBB];
	_ =	sdelay $0x3  }
0x34: {  	[smem:$0x3FBB] =	sst s10  }
0x35: {  	s10 =	sld [smem:$0x3FBA];
	_ =	sdelay $0x3  }
0x36: {  	p1 =	seq.s32 s10, $0x1;
	s10 =	sld [smem:$0x3FBB];
	_ =	sdelay $0x3  }
0x37: {  	[smem:$0x3FBB] =	sst s10  }
0x38: {  	s10 =	sld [smem:$0x3FBC]  }
0x39: {  	_ = 	snop;
	(pc) =	sbr.ind lr, $3  }
0x3a: {  	_ = 	snop  }
0x3b: {  	_ = 	snop  }
0x3c: {  	p2 =	seq.s32 s10, $0x1;
	s10 =	sld [smem:$0x3FBB]  }
0x3d: {  	_ =	shalt  }
0x3e: {  	_ =	shalt  }
0x3f: {  	_ =	shalt  }
0x40: {  	_ =	shalt  }
0x41: {  	_ =	shalt  }
0x42: {  	_ =	shalt  }
0x43: {  	_ =	shalt  }
0x44: {  	_ =	shalt  }
0x45: {  	_ =	shalt  }
0x46: {  	_ =	shalt  }
0x47: {  	_ =	shalt  }
0x48: {  	_ =	shalt  }
0x49: {  	_ =	shalt  }
0x4a: {  	_ =	shalt  }
0x4b: {  	_ =	shalt  }
0x4c: {  	_ =	shalt  }
0x4d: {  	_ =	shalt  }
0x4e: {  	_ =	shalt  }
0x4f: {  	_ =	shalt  }
0x50: {  	_ =	shalt  }
0x51: {  	_ =	shalt  }
0x52: {  	_ =	shalt  }
0x53: {  	_ =	shalt  }
0x54: {  	_ =	shalt  }
0x55: {  	_ =	shalt  }
0x56: {  	_ =	shalt  }
0x57: {  	_ =	shalt  }
0x58: {  	_ =	shalt  }
0x59: {  	_ =	shalt  }
0x5a: {  	_ =	shalt  }
0x5b: {  	_ =	shalt  }
0x5c: {  	_ =	shalt  }
0x5d: {  	_ =	shalt  }
0x5e: {  	_ =	shalt  }
0x5f: {  	_ =	shalt  }
0x60: {  	_ =	shalt  }
0x61: {  	_ =	shalt  }
0x62: {  	_ =	shalt  }
0x63: {  	_ =	shalt  }
0x64: {  	_ =	shalt  }
0x65: {  	_ =	shalt  }
0x66: {  	_ =	shalt  }
0x67: {  	_ =	shalt  }
0x68: {  	_ =	shalt  }
0x69: {  	_ =	shalt  }
0x6a: {  	_ =	shalt  }
0x6b: {  	_ =	shalt  }
0x6c: {  	_ =	shalt  }
0x6d: {  	_ =	shalt  }
0x6e: {  	_ =	shalt  }
0x6f: {  	_ =	shalt  }
0x70: {  	_ =	shalt  }
0x71: {  	_ =	shalt  }
0x72: {  	_ =	shalt  }
0x73: {  	_ =	shalt  }
0x74: {  	_ =	shalt  }
0x75: {  	_ =	shalt  }
0x76: {  	_ =	shalt  }
0x77: {  	_ =	shalt  }
0x78: {  	_ =	shalt  }
0x79: {  	_ =	shalt  }
0x7a: {  	_ =	shalt  }
0x7b: {  	_ =	shalt  }
0x7c: {  	_ =	shalt  }
0x7d: {  	_ =	shalt  }
0x7e: {  	_ =	shalt  }
0x7f: {  	_ =	shalt  }
0x80: {  	_ =	shalt  }
0x81: {  	_ =	shalt  }
0x82: {  	_ =	shalt  }
0x83: {  	_ =	shalt  }
0x84: {  	_ =	shalt  }
0x85: {  	_ =	shalt  }
0x86: {  	_ =	shalt  }
0x87: {  	_ =	shalt  }
.Lfunc_end0:
.L_simem_size_0:
called_computation_lowered:
.L_overlay_start_0:
0x88: {  	s2 =	sld [smem:$0x3FD9]  }
0x89: {  	s3 =	sld [smem:$0x3FFE];
	_ =	sdelay $0x1  }
0x8a: {  	s1 =	srdreg.scid  }
0x8b: {  	s0 =	sand.u32 $0x1, s1  }
0x8c: {  	s17 =	sshll.u32 s0, $0xA;
	s2 =	sadd.s32 s3, s2  }
0x8d: {  	s2 =	sadd.s32 s2, s17  }
0x8e: {  	[smem:$0x3FC7] =	sst s2  }
0x8f: {  	_ = 	snop  }
0x90: {  	s2 =	sld [smem:$0x3FD0];
	(tm) =	ssettm $0x1  }
0x91: {  	s18 =	sld [smem:$0x3FFB];
	_ =	sdelay $0x3  }
0x92: {  	_ =	strace s18  }
0x93: {  	s3 =	sld [smem:$0x3FFC];
	_ =	sdelay $0x3  }
0x94: {  	_ =	strace s3  }
0x95: {  	s3 =	sld [smem:$0x3FFD];
	_ =	sdelay $0x3  }
0x96: {  	_ =	strace s3  }
0x97: {  	_ =	strace $0x8FFFFFFF  }
0x98: {  	s19 =	sld [smem:$0x3FDB];
	_ =	sdelay $0x1  }
0x99: {  	s4 =	simm.s32 $_scs_section_size  }
0x9a: {  	s5 =	simm.s32 $_size__tile_overlayer_lowered;
	s6 =	simm.s32 $_tile_overlayer_lowered  }
0x9b: {  	s22 =	simm.s32 $0x1BFF;
	s21 =	sshll.u32 s6, $0x1;
	s3 =	sadd.s32 s4, s19  }
0x9c: {  	s7 =	simm.s32 $0x0;
	s20 =	sshll.u32 s5, $0x1;
	s5 =	sadd.s32 s21, s3  }
0x9d: {  	[timem:s7], [sflag:s22] =	dma.local [hbm:s5], s20  }
0x9e: {  	_ =	swait.ge [sflag:s22], s20  }
0x9f: {  	s4 =	ssub.s32 $0x0, s20;
	[sflag:s22] =	ssyncset.done $0x0  }
0xa0: {  	[sflag:s22] =	ssyncadd.s32 s4;
	_ =	sdelay $0x1  }
0xa1: {  	s23 =	simm.s32 $0x1B8B  }
0xa2: {  	_ =	swait.ge [sflag:s23], $0x1  }
0xa3: {  	[sflag:s23] =	ssyncset.done $0x0  }
0xa4: {  	s25 =	simm.s32 $0x1B8E;
	s24 =	sld [smem:$0x3FFE];
	[sflag:s23] =	ssyncadd.s32 $0xFFFFFFFF  }
0xa5: {  	s26 =	simm.s32 $execute0_lowered;
	[smem:$0x3FD2] =	sst s25  }
0xa6: {  	s5 =	sshll.u32 s26, $0x1;
	_ =	strace $0x80000046;
	[dreg:$0x1] =	wrdreg $0xFFFFFFFF  }
0xa7: {  	s28 =	simm.s32 $_size_execute0_lowered;
	s3 =	sadd.s32 s3, s5;
	[dreg:$0x0] =	wrdreg $0x0  }
0xa8: {  	s5 =	sshll.u32 s28, $0x1;
	[dreg:$0x2] =	wrdreg s3  }
0xa9: {  	[dreg:$0x3] =	wrdreg s5  }
0xaa: {  	[dreg:$0x4] =	wrdreg $0xC0  }
0xab: {  	_ =	task [dreg:s7], $0x5FFFF  }
0xac: {  	[dreg:$0x1] =	wrdreg $0xFFFFFFFF  }
0xad: {  	[dreg:$0x0] =	wrdreg $0x60  }
0xae: {  	[dreg:$0x2] =	wrdreg s2  }
0xaf: {  	[dreg:$0x3] =	wrdreg s24  }
0xb0: {  	[dreg:$0x4] =	wrdreg $0x9  }
0xb1: {  	_ =	task.clear_ibuf [dreg:s7], $0x5FFFF;
	_ =	strace $0x90000046  }
0xb2: {  	s29 =	simm.s32 $0x9;
	_ =	strace $0x80000048  }
0xb3: {  	_ =	swait.ge [sflag:s29], $0x1  }
0xb4: {  	[sflag:s29] =	ssyncadd.s32 $0xFFFFFFFF  }
0xb5: {  	_ =	strace $0x90000048  }
0xb6: {  	_ =	sfence  }
0xb7: {  	s30 =	sld [smem:$0x0];
	_ =	sdelay $0x2  }
0xb8: {  	s31 =	sshll.u32 s1, $0xD;
	s1 =	sshrl.u32 s1, $0x2  }
0xb9: {  	s3 =	sand.u32 $0x4000, s31;
	s1 =	sadd.s32 s1, s30  }
0xba: {  	s0 =	sor.u32 s3, s0;
	s1 =	sshll.u32 s1, $0x11  }
0xbb: {  	s0 =	sor.u32 s1, s0  }
0xbc: {  	s0 =	sadd.s32 $0x8F2B, s0  }
0xbd: {  	[sflag:s0] =	ssyncadd.remote.s32 $0x1  }
0xbe: {  	_ =	sfence.sel $0xFFFF  }
0xbf: {  	[dreg:$0x0] =	wrdreg $0xFFFFFFFF;
	(pc) =	sbr.abs _section_cstart, $3  }
0xc0: {  	[dreg:$0x1] =	wrdreg $0xFFFFFFFF  }
0xc1: {  	_ =	task.clear_ibuf [dreg:s7], $0x2FFFF;
	_ =	strace $0x9FFFFFFF  }
0xc2: {  	(tm) =	ssettm $0x7FFFFFFF  }
0xc3: {  	_ =	shalt  }
tec
execute0_lowered:
.L_overlay_start_1:
0x0: {  	(tag) =	ssettag $0x1  }
0x1: {  	s1 =	srdreg.scid;
	s6 =	rddreg [dreg:$0x0]  }
0x2: {  	s0 =	stileid.u32;
	s7 =	rddreg [dreg:$0x1]  }
0x3: {  	s2 =	simm.s32 $0x0;
	s14 =	simm.s32 $0x80;
	s8 =	sand.u32 $0x7, s0  }
0x4: {  	s15 =	simm.s32 $0x18880;
	s4 =	sand.u32 $0x1, s1;
	s10 =	smul.u32 $0x61A8, s8  }
0x5: {  	s16 =	simm.s32 $0x3;
	s17 =	simm.s32 $0x0;
	s24 =	smul.u32 $0x512000, s4  }
0x6: {  	s5 =	sshrl.u32 s0, $0x3;
	[smem:$0x7FF] =	sst s2;
	s28 =	smul.u32 $0x4C000, s8  }
0x7: {  	s1 =	sshll.u32 s4, $0x1;
	s11 =	ssub.s32 $0x2, s4;
	s8 =	smul.u32 $0x6200, s8  }
0x8: {  	s3 =	sor.u32 s5, s1;
	s1 =	rddreg [dreg:$0x2];
	s5 =	smul.u32 $0x289000, s5  }
0x9: {  	_ =	strace $0x80000047;
	s26 =	sshrl.u32 s11, $0x1;
	s9 =	smul.u32 $0x30D40, s3  }
0xa: {  	s12 =	smul.u32 $0x289000, s3;
	s3 =	sadd.s32 $0x800, s7;
	s30 =	ssub.s32 s11, s26  }
0xb: {  	s11 =	simm.s32 $0x18900;
	s29 =	sadd.s32 s5, s24;
	s7 =	smax.u32 s30, $0x1  }
.Ltmp0:
0xc: {  	s25 =	sadd.s32 s10, s9;
	s31 =	sadd.s32 s28, s29;
	(pc) =	sbr.rel .LBB2_1-.Ltmp0, $4  }
0xd: {  	v5 =	vlaneseq.u32;
	s8 =	sadd.s32 s12, s8;
	s10 =	simm.s32 $0xC400;
	v0 =	vmov s12;
	s12 =	simm.s32 $0x1  }
0xe: {  	v4 =	vmul.u32 $0xFFFFFFFF, v5;
	s4 =	sshrl.u32 s25, $0x3;
	s9 =	sshrl.u32 s31, $0x3;
	s13 =	sadd.s32 $0x258000, s8  }
0xf: {  	v2 =	vimm.s32 $0x0;
	v3 =	vimm.s32 $0x1;
	s4 =	sadd.s32 s6, s4;
	s8 =	sadd.s32 s9, s3;
	s9 =	simm.s32 $0x6200  }
0x10: {  	v5 =	vmul.u32 $0x10, v5;
	v4 =	vadd.s32 $0x61A8, v4;
	v1 =	vmov s13;
	s13 =	simm.s32 $0x2;
	s5 =	sadd.s32 $0x186A0, s4;
	s6 =	sadd.s32 $0x30D40, s4  }
.LBB2_17:
0x11: {  	[sflag:s16] =	ssyncadd.s32 $0xFFFFFF80  }
.LBB2_18:
0x12: {  	s17 =	sadd.s32 $0x1, s17  }
0x13: {  	p0 =	sne.s32 s17, s7  }
.Ltmp1:
0x14: {  	_ = 	snop;
	(pc) =	sbr.rel @!p0 .LBB2_19-.Ltmp1, $1  }
0x15: {  	_ =	sdelay $0x3  }
.LBB2_1:
0x16: {  	[tilespmem:s2], [sflag:$0x1] =	stream.linear.gather [hbm4b:s4+s2], $0x61A8, $0x38;
	[tilespmem:$0x1A900] =	vst v63  }
0x17: {  	_ = 	snop  }
0x18: {  	[tilespmem:s9], [sflag:$0x1] =	stream.linear.gather [hbm4b:s5+s2], $0x61A8, $0x38;
	[tilespmem:$0x1A900] =	vst v63  }
0x19: {  	s18 =	simm.s32 $0x0  }
0x1a: {  	[tilespmem:s10], [sflag:$0x1] =	stream.linear.gather [hbm4b:s6+s2], $0x61A8, $0x38;
	[tilespmem:$0x1A900] =	vst v63  }
.LBB2_2:
0x1b: {  	p0 =	sne.s32 s18, $0x7FC0  }
.Ltmp2:
0x1c: {  	_ = 	snop;
	(pc) =	sbr.rel @p0 .LBB2_2-.Ltmp2, $3  }
0x1d: {  	_ =	sdelay $0x1  }
0x1e: {  	s19 =	sshra.s32 s18, $0x2  }
0x1f: {  	s18 =	sadd.s32 $0x40, s18;
	[tilespmem:s19+$0x18900] =	vst v2  }
0x20: {  	s18 =	simm.s32 $0x400;
	s19 =	sadd.s32 $0x0, s8  }
.LBB2_4:
0x21: {  	[hbm4b:s19+s2] =	stream.linear.scatter [tilespmem:s11], [sflag:$0x2], $0x2000, $0x38;
	[tilespmem:$0x1A900] =	vst v63  }
0x22: {  	s19 =	smov.u32 s18;
	p0 =	sne.s32 s18, $0x9400  }
.Ltmp3:
0x23: {  	s18 =	sadd.s32 $0x400, s18;
	(pc) =	sbr.rel @p0 .LBB2_4-.Ltmp3, $2  }
0x24: {  	_ =	sdelay $0x2  }
0x25: {  	s19 =	sadd.s32 s19, s8  }
0x26: {  	[hbm4b:s19+s2] =	stream.linear.scatter [tilespmem:s11], [sflag:$0x2], $0x2000, $0x38;
	[tilespmem:$0x1A900] =	vst v63  }
0x27: {  	[tilespmem:$0x18880] =	vst v3  }
0x28: {  	[tilespmem:$0x18890] =	vst v3  }
0x29: {  	[tilespmem:$0x188A0] =	vst v3  }
0x2a: {  	[tilespmem:$0x188B0] =	vst v3  }
0x2b: {  	[tilespmem:$0x188C0] =	vst v3  }
0x2c: {  	[tilespmem:$0x188D0] =	vst v3  }
0x2d: {  	[tilespmem:$0x188E0] =	vst v3  }
0x2e: {  	[tilespmem:$0x188F0] =	vst v3  }
0x2f: {  	_ =	swait.ge [sflag:s12], $0x61A8  }
0x30: {  	[sflag:s12] =	ssyncset.done $0x0  }
0x31: {  	[sflag:s12] =	ssyncadd.s32 $0xFFFF9E58  }
0x32: {  	_ =	swait.ge [sflag:s12], $0x61A8  }
0x33: {  	[sflag:s12] =	ssyncset.done $0x0  }
0x34: {  	[sflag:s12] =	ssyncadd.s32 $0xFFFF9E58  }
0x35: {  	_ =	swait.ge [sflag:s12], $0x61A8  }
0x36: {  	[sflag:s12] =	ssyncset.done $0x0  }
0x37: {  	s18 =	simm.s32 $0xC440;
	[sflag:s12] =	ssyncadd.s32 $0xFFFF9E58  }
0x38: {  	s19 =	simm.s32 $0x6240;
	v6 =	vld [tilespmem:s18+$0xFFFFFFC0]  }
0x39: {  	s20 =	simm.s32 $0x40;
	v7 =	vld [tilespmem:s19+$0xFFFFFFC0]  }
0x3a: {  	v8 =	vld [tilespmem:s20+$0xFFFFFFC0];
	_ =	sdelay $0x3  }
0x3b: {  	v10 =	vadd.f32 $2.000000000e+00, v6;
	v11 =	vand.u32 $0x7FFFFFFF, v7  }
0x3c: {  	v7 =	vsub.f32 $4.000000000e+01, v7;
	vm0 =	vlt.f32 v8, $8.000000000e+01;
	vm1 =	vlt.f32 v11, $4.000000000e+01  }
0x3d: {  	s21 =	simm.s32 $0x0;
	vm2 =	vgt.f32 v8, $0.0e+00;
	v10 =	vmul.f32 $4.000000000e+00, v10;
	vm0 =	vmand vm0, vm1  }
0x3e: {  	v9 =	vmov s21;
	vm1 =	vlt.f32 v6, $4.000000000e+00;
	vm0 =	vmand vm0, vm2  }
0x3f: {  	vm2 =	vgt.f32 v6, $-2.000000000e+00;
	v6 =	vmul.f32 $4.000000000e+00, v7;
	v7 =	vtrunc.f32 v10  }
0x40: {  	v8 =	vmul.f32 $4.000000000e+00, v8;
	vm0 =	vmand vm2, vm0;
	v7 =	vcvt.f32.s32 v7  }
0x41: {  	vm2 =	vlt.u32 v9, v4;
	vm0 =	vmand vm1, vm0;
	v6 =	vtrunc.f32 v6  }
0x42: {  	vm0 =	vmand vm2, vm0;
	v6 =	vcvt.f32.s32 v6;
	v7 =	vmul.u32 $0x140, v7  }
0x43: {  	v8 =	vtrunc.f32 v8;
	v9 =	vsel vm0, $0x1, v2  }
0x44: {  	v8 =	vcvt.f32.s32 v8;
	(xrf0) =	vadd.scan.msk.s32 $0xffff, v9;
	v6 =	vadd.s32 v6, v7  }
0x45: {  	v6 =	vmul.u32 $0x140, v6  }
0x46: {  	v7 =	vadd.s32 v8, v0  }
0x47: {  	s26 =	simm.s32 $0x0;
	v6 =	vadd.s32 v6, v7  }
0x48: {  	[tilespmem:s26+$0x12600] =	vst.msk vm0, v6  }
0x49: {  	v6 =	vld [tilespmem:s18+$0xFFFFFFD0]  }
0x4a: {  	v7, _, _ =	vpop (xrf0);
	v8 =	vld [tilespmem:s20+$0xFFFFFFD0]  }
0x4b: {  	(v2sf) =	vpush v7, $0xF;
	v7 =	vld [tilespmem:s19+$0xFFFFFFD0];
	_ =	sdelay $0x3  }
0x4c: {  	v9 =	vadd.f32 $2.000000000e+00, v6;
	vm0 =	vgt.f32 v6, $-2.000000000e+00  }
0x4d: {  	vm1 =	vlt.f32 v6, $4.000000000e+00;
	vm2 =	vlt.f32 v8, $8.000000000e+01;
	v6 =	vand.u32 $0x7FFFFFFF, v7  }
0x4e: {  	v7 =	vsub.f32 $4.000000000e+01, v7;
	v9 =	vmul.f32 $4.000000000e+00, v9;
	vm3 =	vlt.f32 v6, $4.000000000e+01  }
0x4f: {  	vm4 =	vgt.f32 v8, $0.0e+00;
	v8 =	vmul.f32 $4.000000000e+00, v8;
	vm2 =	vmand vm2, vm3  }
0x50: {  	s28 =	simm.s32 $0x10;
	v6 =	vmul.f32 $4.000000000e+00, v7;
	v7 =	vtrunc.f32 v9;
	vm2 =	vmand vm2, vm4  }
0x51: {  	v9 =	vmov s28;
	v7 =	vcvt.f32.s32 v7;
	vm0 =	vmand vm0, vm2  }
0x52: {  	v6 =	vtrunc.f32 v6;
	vm0 =	vmand vm1, vm0;
	vm1 =	vlt.u32 v9, v4  }
0x53: {  	v6 =	vcvt.f32.s32 v6;
	v7 =	vmul.u32 $0x140, v7;
	vm0 =	vmand vm1, vm0  }
0x54: {  	v8 =	vtrunc.f32 v8;
	v9 =	vsel vm0, $0x1, v2  }
0x55: {  	v8 =	vcvt.f32.s32 v8;
	v6 =	vadd.s32 v6, v7;
	(xrf0) =	vadd.scan.msk.s32 $0xffff, v9  }
0x56: {  	v6 =	vmul.u32 $0x140, v6  }
0x57: {  	v7 =	vadd.s32 v8, v0;
	s29 =	spop (v2sf)  }
0x58: {  	s21 =	sadd.s32 $0x0, s29;
	v6 =	vadd.s32 v6, v7  }
0x59: {  	[tilespmem:s21+$0x12600] =	vst.msk vm0, v6  }
0x5a: {  	v6 =	vld [tilespmem:s19+$0xFFFFFFE0]  }
0x5b: {  	v7 =	vld [tilespmem:s18+$0xFFFFFFE0];
	v8, _, _ =	vpop (xrf0)  }
0x5c: {  	v9 =	vld [tilespmem:s20+$0xFFFFFFE0];
	(v2sf) =	vpush v8, $0xF;
	_ =	sdelay $0x3  }
0x5d: {  	v8 =	vand.u32 $0x7FFFFFFF, v6;
	v10 =	vadd.f32 $2.000000000e+00, v7  }
0x5e: {  	v6 =	vsub.f32 $4.000000000e+01, v6;
	vm0 =	vlt.f32 v9, $8.000000000e+01;
	vm1 =	vlt.f32 v8, $4.000000000e+01  }
0x5f: {  	vm2 =	vgt.f32 v9, $0.0e+00;
	vm0 =	vmand vm0, vm1;
	v8 =	vmul.f32 $4.000000000e+00, v10  }
0x60: {  	v9 =	vmul.f32 $4.000000000e+00, v9;
	vm1 =	vgt.f32 v7, $-2.000000000e+00;
	vm0 =	vmand vm0, vm2  }
0x61: {  	s22 =	simm.s32 $0x20;
	v6 =	vmul.f32 $4.000000000e+00, v6;
	vm0 =	vmand vm1, vm0;
	v8 =	vtrunc.f32 v8  }
0x62: {  	vm1 =	vlt.f32 v7, $4.000000000e+00;
	v7 =	vmov s22;
	v8 =	vcvt.f32.s32 v8  }
0x63: {  	v6 =	vtrunc.f32 v6;
	vm0 =	vmand vm1, vm0;
	vm1 =	vlt.u32 v7, v4  }
0x64: {  	v6 =	vcvt.f32.s32 v6;
	vm0 =	vmand vm1, vm0;
	v7 =	vmul.u32 $0x140, v8  }
0x65: {  	v8 =	vtrunc.f32 v9;
	v9 =	vsel vm0, $0x1, v2  }
0x66: {  	v8 =	vcvt.f32.s32 v8;
	(xrf0) =	vadd.scan.msk.s32 $0xffff, v9;
	v6 =	vadd.s32 v6, v7  }
0x67: {  	v6 =	vmul.u32 $0x140, v6  }
0x68: {  	v7 =	vadd.s32 v8, v0;
	s30 =	spop (v2sf)  }
0x69: {  	v6 =	vadd.s32 v6, v7;
	s21 =	sadd.s32 s21, s30  }
0x6a: {  	[tilespmem:s21+$0x12600] =	vst.msk vm0, v6  }
0x6b: {  	v6 =	vld [tilespmem:s19+$0xFFFFFFF0]  }
0x6c: {  	v8, _, _ =	vpop (xrf0);
	v7 =	vld [tilespmem:s18+$0xFFFFFFF0]  }
0x6d: {  	(v2sf) =	vpush v8, $0xF;
	v8 =	vld [tilespmem:s20+$0xFFFFFFF0];
	_ =	sdelay $0x3  }
0x6e: {  	v9 =	vand.u32 $0x7FFFFFFF, v6;
	v10 =	vadd.f32 $2.000000000e+00, v7  }
0x6f: {  	v6 =	vsub.f32 $4.000000000e+01, v6;
	vm1 =	vlt.f32 v7, $4.000000000e+00;
	vm2 =	vlt.f32 v8, $8.000000000e+01  }
0x70: {  	vm3 =	vgt.f32 v8, $0.0e+00;
	vm0 =	vlt.f32 v9, $4.000000000e+01;
	v10 =	vmul.f32 $4.000000000e+00, v10  }
0x71: {  	v9 =	vmul.f32 $4.000000000e+00, v8;
	v6 =	vmul.f32 $4.000000000e+00, v6;
	vm0 =	vmand vm2, vm0  }
0x72: {  	s31 =	simm.s32 $0x30;
	vm2 =	vgt.f32 v7, $-2.000000000e+00;
	vm0 =	vmand vm0, vm3;
	v7 =	vtrunc.f32 v10  }
0x73: {  	v8 =	vmov s31;
	vm0 =	vmand vm2, vm0;
	v7 =	vcvt.f32.s32 v7  }
0x74: {  	v6 =	vtrunc.f32 v6;
	vm0 =	vmand vm1, vm0;
	vm1 =	vlt.u32 v8, v4  }
0x75: {  	v6 =	vcvt.f32.s32 v6;
	vm0 =	vmand vm1, vm0;
	v7 =	vmul.u32 $0x140, v7  }
0x76: {  	v8 =	vtrunc.f32 v9;
	v9 =	vsel vm0, $0x1, v2  }
0x77: {  	v8 =	vcvt.f32.s32 v8;
	(xrf0) =	vadd.scan.msk.s32 $0xffff, v9;
	v6 =	vadd.s32 v6, v7  }
0x78: {  	v6 =	vmul.u32 $0x140, v6  }
0x79: {  	v7 =	vadd.s32 v8, v0;
	s23 =	spop (v2sf)  }
0x7a: {  	s21 =	sadd.s32 s21, s23;
	v6 =	vadd.s32 v6, v7  }
0x7b: {  	[tilespmem:s21+$0x12600] =	vst.msk vm0, v6  }
0x7c: {  	v6 =	vld [tilespmem:s19+$0x0]  }
0x7d: {  	v7, _, _ =	vpop (xrf0);
	v8 =	vld [tilespmem:s18+$0x0]  }
0x7e: {  	(v2sf) =	vpush v7, $0xF  }
0x7f: {  	v7 =	vld [tilespmem:s20+$0x0];
	_ =	sdelay $0x2  }
0x80: {  	v9 =	vsub.f32 $4.000000000e+01, v6;
	v6 =	vand.u32 $0x7FFFFFFF, v6;
	v10 =	vadd.f32 $2.000000000e+00, v8  }
0x81: {  	vm1 =	vgt.f32 v8, $-2.000000000e+00;
	vm0 =	vlt.f32 v6, $4.000000000e+01  }
0x82: {  	vm2 =	vlt.f32 v7, $8.000000000e+01;
	v6 =	vmul.f32 $4.000000000e+00, v9;
	v9 =	vmul.f32 $4.000000000e+00, v10  }
0x83: {  	vm3 =	vlt.f32 v8, $4.000000000e+00;
	vm15 =	vgt.f32 v7, $0.0e+00;
	vm0 =	vmand vm2, vm0  }
0x84: {  	s24 =	simm.s32 $0x40;
	v7 =	vmul.f32 $4.000000000e+00, v7;
	vm0 =	vmand vm0, vm15;
	v8 =	vtrunc.f32 v9  }
0x85: {  	v9 =	vmov s24;
	vm0 =	vmand vm1, vm0;
	v8 =	vcvt.f32.s32 v8  }
0x86: {  	v6 =	vtrunc.f32 v6;
	vm0 =	vmand vm3, vm0;
	vm1 =	vlt.u32 v9, v4  }
0x87: {  	v6 =	vcvt.f32.s32 v6;
	vm0 =	vmand vm1, vm0;
	v8 =	vmul.u32 $0x140, v8  }
0x88: {  	v7 =	vtrunc.f32 v7;
	v9 =	vsel vm0, $0x1, v2  }
0x89: {  	v7 =	vcvt.f32.s32 v7;
	(xrf0) =	vadd.scan.msk.s32 $0xffff, v9;
	v6 =	vadd.s32 v6, v8  }
0x8a: {  	v6 =	vmul.u32 $0x140, v6  }
0x8b: {  	v7 =	vadd.s32 v7, v0;
	s25 =	spop (v2sf)  }
0x8c: {  	s21 =	sadd.s32 s21, s25;
	v6 =	vadd.s32 v6, v7  }
0x8d: {  	[tilespmem:s21+$0x12600] =	vst.msk vm0, v6  }
0x8e: {  	v6 =	vld [tilespmem:s18+$0x10]  }
0x8f: {  	v7 =	vld [tilespmem:s19+$0x10];
	v8, _, _ =	vpop (xrf0)  }
0x90: {  	v9 =	vld [tilespmem:s20+$0x10];
	(v2sf) =	vpush v8, $0xF;
	_ =	sdelay $0x3  }
0x91: {  	v8 =	vadd.f32 $2.000000000e+00, v6;
	v10 =	vand.u32 $0x7FFFFFFF, v7;
	v7 =	vsub.f32 $4.000000000e+01, v7  }
0x92: {  	vm0 =	vlt.f32 v9, $8.000000000e+01;
	vm2 =	vgt.f32 v9, $0.0e+00;
	vm1 =	vlt.f32 v10, $4.000000000e+01  }
0x93: {  	v8 =	vmul.f32 $4.000000000e+00, v8;
	vm0 =	vmand vm0, vm1;
	v7 =	vmul.f32 $4.000000000e+00, v7  }
0x94: {  	s26 =	simm.s32 $0x50;
	vm1 =	vgt.f32 v6, $-2.000000000e+00;
	vm0 =	vmand vm0, vm2;
	vm2 =	vlt.f32 v6, $4.000000000e+00  }
0x95: {  	v6 =	vmov s26;
	v8 =	vtrunc.f32 v8;
	vm0 =	vmand vm1, vm0  }
0x96: {  	vm1 =	vlt.u32 v6, v4;
	v8 =	vcvt.f32.s32 v8;
	vm0 =	vmand vm2, vm0  }
0x97: {  	v6 =	vmul.f32 $4.000000000e+00, v9;
	v7 =	vtrunc.f32 v7;
	vm0 =	vmand vm1, vm0  }
0x98: {  	v7 =	vcvt.f32.s32 v7;
	v8 =	vmul.u32 $0x140, v8;
	v9 =	vsel vm0, $0x1, v2  }
0x99: {  	v6 =	vtrunc.f32 v6;
	(xrf0) =	vadd.scan.msk.s32 $0xffff, v9  }
0x9a: {  	v6 =	vcvt.f32.s32 v6;
	v7 =	vadd.s32 v7, v8  }
0x9b: {  	v7 =	vmul.u32 $0x140, v7  }
0x9c: {  	v6 =	vadd.s32 v6, v0;
	s28 =	spop (v2sf)  }
0x9d: {  	s21 =	sadd.s32 s21, s28;
	v6 =	vadd.s32 v7, v6  }
0x9e: {  	[tilespmem:s21+$0x12600] =	vst.msk vm0, v6  }
0x9f: {  	v6 =	vld [tilespmem:s18+$0x20];
	v7, _, _ =	vpop (xrf0)  }
0xa0: {  	(v2sf) =	vpush v7, $0xF;
	v7 =	vld [tilespmem:s19+$0x20]  }
0xa1: {  	v8 =	vld [tilespmem:s20+$0x20];
	_ =	sdelay $0x2  }
0xa2: {  	v9 =	vadd.f32 $2.000000000e+00, v6  }
0xa3: {  	vm1 =	vlt.f32 v6, $4.000000000e+00;
	v10 =	vand.u32 $0x7FFFFFFF, v7;
	v7 =	vsub.f32 $4.000000000e+01, v7  }
0xa4: {  	vm2 =	vlt.f32 v8, $8.000000000e+01;
	vm3 =	vgt.f32 v8, $0.0e+00;
	v9 =	vmul.f32 $4.000000000e+00, v9  }
0xa5: {  	vm0 =	vlt.f32 v10, $4.000000000e+01;
	v10 =	vmul.f32 $4.000000000e+00, v8;
	v7 =	vmul.f32 $4.000000000e+00, v7  }
0xa6: {  	vm0 =	vmand vm2, vm0;
	vm2 =	vgt.f32 v6, $-2.000000000e+00;
	v9 =	vtrunc.f32 v9  }
0xa7: {  	s29 =	simm.s32 $0x60;
	vm0 =	vmand vm0, vm3;
	v8 =	vcvt.f32.s32 v9;
	v6 =	vtrunc.f32 v7  }
0xa8: {  	vm0 =	vmand vm2, vm0;
	v9 =	vmov s29;
	v6 =	vcvt.f32.s32 v6  }
0xa9: {  	vm0 =	vmand vm1, vm0;
	vm1 =	vlt.u32 v9, v4;
	v7 =	vmul.u32 $0x140, v8  }
0xaa: {  	vm0 =	vmand vm1, vm0  }
0xab: {  	v6 =	vadd.s32 v6, v7;
	v7 =	vsel vm0, $0x1, v2  }
0xac: {  	v8 =	vtrunc.f32 v10;
	(xrf0) =	vadd.scan.msk.s32 $0xffff, v7  }
0xad: {  	v8 =	vcvt.f32.s32 v8  }
0xae: {  	v6 =	vmul.u32 $0x140, v6  }
0xaf: {  	v8 =	vadd.s32 v8, v0;
	s30 =	spop (v2sf)  }
0xb0: {  	s25 =	sadd.s32 s21, s30;
	v6 =	vadd.s32 v6, v8  }
0xb1: {  	[tilespmem:s25+$0x12600] =	vst.msk vm0, v6  }
0xb2: {  	v6 =	vld [tilespmem:s18+$0x30];
	v9, _, _ =	vpop (xrf0)  }
0xb3: {  	v7 =	vld [tilespmem:s19+$0x30];
	(v2sf) =	vpush v9, $0xF  }
0xb4: {  	v8 =	vld [tilespmem:s20+$0x30];
	_ =	sdelay $0x1  }
0xb5: {  	s31 =	simm.s32 $0x70  }
0xb6: {  	v9 =	vmov s31;
	v10 =	vadd.f32 $2.000000000e+00, v6  }
0xb7: {  	v11 =	vand.u32 $0x7FFFFFFF, v7;
	vm0 =	vlt.f32 v6, $4.000000000e+00;
	v7 =	vsub.f32 $4.000000000e+01, v7  }
0xb8: {  	vm1 =	vlt.f32 v8, $8.000000000e+01;
	vm2 =	vlt.f32 v11, $4.000000000e+01;
	v10 =	vmul.f32 $4.000000000e+00, v10  }
0xb9: {  	vm3 =	vgt.f32 v8, $0.0e+00;
	vm1 =	vmand vm1, vm2;
	v7 =	vmul.f32 $4.000000000e+00, v7  }
0xba: {  	vm2 =	vgt.f32 v6, $-2.000000000e+00;
	vm1 =	vmand vm1, vm3;
	v6 =	vtrunc.f32 v10  }
0xbb: {  	vm1 =	vmand vm2, vm1;
	v10 =	vtrunc.f32 v7;
	v11 =	vcvt.f32.s32 v6  }
0xbc: {  	s22 =	simm.s32 $0xC4C0;
	s23 =	simm.s32 $0x170;
	s21 =	simm.s32 $0xC4C0;
	v7 =	vmul.f32 $4.000000000e+00, v8;
	vm0 =	vmand vm0, vm1;
	vm1 =	vlt.u32 v9, v4  }
0xbd: {  	s18 =	simm.s32 $0xF0;
	s19 =	simm.s32 $0xC0;
	s20 =	simm.s32 $0x62C0;
	v6 =	vcvt.f32.s32 v10;
	vm0 =	vmand vm1, vm0;
	v8 =	vmul.u32 $0x140, v11  }
.LBB2_6:
0xbe: {  	p0 =	sne.s32 s23, $0x61F0;
	v7 =	vtrunc.f32 v7;
	v9 =	vsel vm0, $0x1, v2;
	s24 =	smov.u32 s23;
	s23 =	sadd.s32 $0x80, s23  }
0xbf: {  	v7 =	vcvt.f32.s32 v7;
	v6 =	vadd.s32 v6, v8;
	(xrf0) =	vadd.scan.msk.s32 $0xffff, v9  }
0xc0: {  	v6 =	vmul.u32 $0x140, v6  }
0xc1: {  	s26 =	sadd.s32 $0xFFFFFF90, s18;
	v7 =	vadd.s32 v7, v0;
	s28 =	spop (v2sf)  }
0xc2: {  	v8 =	vmov s26;
	s25 =	sadd.s32 s25, s28;
	v6 =	vadd.s32 v6, v7  }
0xc3: {  	[tilespmem:s25+$0x12600] =	vst.msk vm0, v6  }
0xc4: {  	vm0 =	vlt.u32 v8, v4  }
0xc5: {  	v6, _, _ =	vpop (xrf0)  }
0xc6: {  	v7 =	vld [tilespmem:s22+$0xFFFFFFC0];
	(v2sf) =	vpush v6, $0xF  }
0xc7: {  	v6 =	vld [tilespmem:s20+$0xFFFFFFC0]  }
0xc8: {  	v8 =	vld [tilespmem:s19+$0xFFFFFFC0];
	_ =	sdelay $0x2  }
0xc9: {  	v9 =	vadd.f32 $2.000000000e+00, v7  }
0xca: {  	vm1 =	vlt.f32 v7, $4.000000000e+00;
	v10 =	vand.u32 $0x7FFFFFFF, v6;
	v6 =	vsub.f32 $4.000000000e+01, v6  }
0xcb: {  	vm2 =	vlt.f32 v8, $8.000000000e+01;
	vm3 =	vlt.f32 v10, $4.000000000e+01;
	v9 =	vmul.f32 $4.000000000e+00, v9  }
0xcc: {  	vm4 =	vgt.f32 v8, $0.0e+00;
	vm2 =	vmand vm2, vm3;
	v6 =	vmul.f32 $4.000000000e+00, v6  }
0xcd: {  	vm3 =	vgt.f32 v7, $-2.000000000e+00;
	vm2 =	vmand vm2, vm4;
	v7 =	vtrunc.f32 v9  }
0xce: {  	vm2 =	vmand vm3, vm2;
	v6 =	vtrunc.f32 v6;
	v7 =	vcvt.f32.s32 v7  }
0xcf: {  	v8 =	vmul.f32 $4.000000000e+00, v8;
	vm1 =	vmand vm1, vm2  }
0xd0: {  	v6 =	vcvt.f32.s32 v6;
	vm0 =	vmand vm0, vm1;
	v7 =	vmul.u32 $0x140, v7  }
0xd1: {  	v8 =	vtrunc.f32 v8;
	v9 =	vsel vm0, $0x1, v2  }
0xd2: {  	v8 =	vcvt.f32.s32 v8;
	v6 =	vadd.s32 v6, v7;
	(xrf0) =	vadd.scan.msk.s32 $0xffff, v9  }
0xd3: {  	v6 =	vmul.u32 $0x140, v6;
	s26 =	spop (v2sf)  }
0xd4: {  	v7 =	vadd.s32 v8, v0;
	s25 =	sadd.s32 s25, s26  }
0xd5: {  	v6 =	vadd.s32 v6, v7;
	_ =	sdelay $0x1  }
0xd6: {  	[tilespmem:s25+$0x12600] =	vst.msk vm0, v6  }
0xd7: {  	v6 =	vld [tilespmem:s22+$0xFFFFFFD0];
	v7, _, _ =	vpop (xrf0)  }
0xd8: {  	(v2sf) =	vpush v7, $0xF  }
0xd9: {  	v7 =	vld [tilespmem:s20+$0xFFFFFFD0]  }
0xda: {  	v8 =	vld [tilespmem:s19+$0xFFFFFFD0];
	_ =	sdelay $0x1  }
0xdb: {  	v9 =	vadd.f32 $2.000000000e+00, v6  }
0xdc: {  	vm0 =	vgt.f32 v6, $-2.000000000e+00;
	vm1 =	vlt.f32 v6, $4.000000000e+00  }
0xdd: {  	v6 =	vand.u32 $0x7FFFFFFF, v7;
	v7 =	vsub.f32 $4.000000000e+01, v7;
	v9 =	vmul.f32 $4.000000000e+00, v9  }
0xde: {  	vm2 =	vgt.f32 v8, $0.0e+00;
	vm3 =	vlt.f32 v8, $8.000000000e+01;
	vm4 =	vlt.f32 v6, $4.000000000e+01  }
0xdf: {  	vm3 =	vmand vm3, vm4;
	v6 =	vmul.f32 $4.000000000e+00, v7;
	v7 =	vtrunc.f32 v9  }
0xe0: {  	s26 =	sadd.s32 $0xFFFFFFA0, s18;
	v8 =	vmul.f32 $4.000000000e+00, v8;
	vm2 =	vmand vm3, vm2;
	v7 =	vcvt.f32.s32 v7  }
0xe1: {  	v9 =	vmov s26;
	vm0 =	vmand vm0, vm2;
	v6 =	vtrunc.f32 v6  }
0xe2: {  	vm0 =	vmand vm1, vm0;
	v6 =	vcvt.f32.s32 v6;
	v7 =	vmul.u32 $0x140, v7  }
0xe3: {  	v8 =	vtrunc.f32 v8;
	vm1 =	vlt.u32 v9, v4  }
0xe4: {  	v8 =	vcvt.f32.s32 v8;
	vm0 =	vmand vm1, vm0;
	v6 =	vadd.s32 v6, v7  }
0xe5: {  	v7 =	vsel vm0, $0x1, v2;
	v6 =	vmul.u32 $0x140, v6  }
0xe6: {  	v8 =	vadd.s32 v8, v0;
	s26 =	spop (v2sf);
	(xrf0) =	vadd.scan.msk.s32 $0xffff, v7  }
0xe7: {  	s25 =	sadd.s32 s25, s26;
	v6 =	vadd.s32 v6, v8  }
0xe8: {  	[tilespmem:s25+$0x12600] =	vst.msk vm0, v6  }
0xe9: {  	v6 =	vld [tilespmem:s20+$0xFFFFFFE0]  }
0xea: {  	v7 =	vld [tilespmem:s19+$0xFFFFFFE0];
	_ =	sdelay $0x1  }
0xeb: {  	v8 =	vld [tilespmem:s22+$0xFFFFFFE0];
	v9, _, _ =	vpop (xrf0)  }
0xec: {  	(v2sf) =	vpush v9, $0xF  }
0xed: {  	v9 =	vand.u32 $0x7FFFFFFF, v6;
	v6 =	vsub.f32 $4.000000000e+01, v6  }
0xee: {  	vm0 =	vlt.f32 v7, $8.000000000e+01;
	vm1 =	vlt.f32 v9, $4.000000000e+01;
	v9 =	vmul.f32 $4.000000000e+00, v7  }
0xef: {  	vm2 =	vgt.f32 v7, $0.0e+00;
	vm0 =	vmand vm0, vm1;
	v6 =	vmul.f32 $4.000000000e+00, v6  }
0xf0: {  	vm0 =	vmand vm0, vm2;
	vm1 =	vgt.f32 v8, $-2.000000000e+00;
	v7 =	vadd.f32 $2.000000000e+00, v8  }
0xf1: {  	vm0 =	vmand vm1, vm0;
	vm1 =	vlt.f32 v8, $4.000000000e+00;
	v6 =	vtrunc.f32 v6  }
0xf2: {  	v8 =	vtrunc.f32 v9;
	vm0 =	vmand vm1, vm0;
	v7 =	vmul.f32 $4.000000000e+00, v7  }
0xf3: {  	v8 =	vcvt.f32.s32 v8  }
0xf4: {  	s26 =	sadd.s32 $0xFFFFFFB0, s18;
	v7 =	vtrunc.f32 v7  }
0xf5: {  	v9 =	vmov s26;
	v7 =	vcvt.f32.s32 v7  }
0xf6: {  	vm1 =	vlt.u32 v9, v4  }
0xf7: {  	v6 =	vcvt.f32.s32 v6;
	vm0 =	vmand vm1, vm0;
	v7 =	vmul.u32 $0x140, v7  }
0xf8: {  	v9 =	vsel vm0, $0x1, v2  }
0xf9: {  	v6 =	vadd.s32 v6, v7;
	(xrf0) =	vadd.scan.msk.s32 $0xffff, v9  }
0xfa: {  	v6 =	vmul.u32 $0x140, v6  }
0xfb: {  	v7 =	vadd.s32 v8, v0;
	s26 =	spop (v2sf)  }
0xfc: {  	s25 =	sadd.s32 s25, s26;
	v6 =	vadd.s32 v6, v7  }
0xfd: {  	[tilespmem:s25+$0x12600] =	vst.msk vm0, v6  }
0xfe: {  	v6 =	vld [tilespmem:s20+$0xFFFFFFF0]  }
0xff: {  	v7 =	vld [tilespmem:s22+$0xFFFFFFF0];
	v8, _, _ =	vpop (xrf0)  }
0x100: {  	v9 =	vld [tilespmem:s19+$0xFFFFFFF0];
	(v2sf) =	vpush v8, $0xF;
	_ =	sdelay $0x2  }
0x101: {  	v8 =	vand.u32 $0x7FFFFFFF, v6;
	v6 =	vsub.f32 $4.000000000e+01, v6  }
0x102: {  	vm0 =	vlt.f32 v8, $4.000000000e+01;
	vm1 =	vlt.f32 v7, $4.000000000e+00;
	v8 =	vadd.f32 $2.000000000e+00, v7  }
0x103: {  	vm2 =	vlt.f32 v9, $8.000000000e+01;
	v10 =	vmul.f32 $4.000000000e+00, v9;
	v6 =	vmul.f32 $4.000000000e+00, v6  }
0x104: {  	vm3 =	vgt.f32 v9, $0.0e+00;
	vm0 =	vmand vm2, vm0;
	v8 =	vmul.f32 $4.000000000e+00, v8  }
0x105: {  	s26 =	sadd.s32 $0xFFFFFFC0, s18;
	vm2 =	vgt.f32 v7, $-2.000000000e+00;
	vm0 =	vmand vm0, vm3;
	v7 =	vtrunc.f32 v10  }
0x106: {  	v9 =	vmov s26;
	vm0 =	vmand vm2, vm0;
	v8 =	vtrunc.f32 v8  }
0x107: {  	vm0 =	vmand vm1, vm0;
	vm1 =	vlt.u32 v9, v4;
	v8 =	vcvt.f32.s32 v8  }
0x108: {  	v6 =	vtrunc.f32 v6;
	vm0 =	vmand vm1, vm0  }
0x109: {  	v6 =	vcvt.f32.s32 v6;
	v8 =	vmul.u32 $0x140, v8;
	v9 =	vsel vm0, $0x1, v2  }
0x10a: {  	(xrf0) =	vadd.scan.msk.s32 $0xffff, v9  }
0x10b: {  	v7 =	vcvt.f32.s32 v7;
	v6 =	vadd.s32 v6, v8  }
0x10c: {  	v6 =	vmul.u32 $0x140, v6  }
0x10d: {  	v7 =	vadd.s32 v7, v0;
	s26 =	spop (v2sf)  }
0x10e: {  	s25 =	sadd.s32 s25, s26;
	v6 =	vadd.s32 v6, v7  }
0x10f: {  	[tilespmem:s25+$0x12600] =	vst.msk vm0, v6  }
0x110: {  	v6 =	vld [tilespmem:s20+$0x0];
	v7, _, _ =	vpop (xrf0)  }
0x111: {  	v8 =	vld [tilespmem:s22+$0x0];
	(v2sf) =	vpush v7, $0xF;
	_ =	sdelay $0x2  }
0x112: {  	v7 =	vld [tilespmem:s19+$0x0]  }
0x113: {  	v9 =	vand.u32 $0x7FFFFFFF, v6;
	v6 =	vsub.f32 $4.000000000e+01, v6  }
0x114: {  	vm0 =	vlt.f32 v9, $4.000000000e+01;
	v9 =	vadd.f32 $2.000000000e+00, v8  }
0x115: {  	v6 =	vmul.f32 $4.000000000e+00, v6  }
0x116: {  	vm1 =	vgt.f32 v8, $-2.000000000e+00;
	v9 =	vmul.f32 $4.000000000e+00, v9  }
0x117: {  	vm3 =	vlt.f32 v8, $4.000000000e+00;
	vm2 =	vlt.f32 v7, $8.000000000e+01;
	v8 =	vmul.f32 $4.000000000e+00, v7  }
0x118: {  	vm4 =	vgt.f32 v7, $0.0e+00;
	vm0 =	vmand vm2, vm0;
	v7 =	vtrunc.f32 v9  }
0x119: {  	s26 =	sadd.s32 $0xFFFFFFD0, s18;
	vm0 =	vmand vm0, vm4;
	v8 =	vtrunc.f32 v8;
	v7 =	vcvt.f32.s32 v7  }
0x11a: {  	v6 =	vtrunc.f32 v6;
	v9 =	vmov s26;
	vm0 =	vmand vm1, vm0  }
0x11b: {  	v6 =	vcvt.f32.s32 v6;
	vm0 =	vmand vm3, vm0;
	v7 =	vmul.u32 $0x140, v7  }
0x11c: {  	vm1 =	vlt.u32 v9, v4  }
0x11d: {  	v8 =	vcvt.f32.s32 v8;
	vm0 =	vmand vm1, vm0;
	v6 =	vadd.s32 v6, v7  }
0x11e: {  	v7 =	vsel vm0, $0x1, v2;
	v6 =	vmul.u32 $0x140, v6;
	s26 =	spop (v2sf)  }
0x11f: {  	v8 =	vadd.s32 v8, v0;
	(xrf0) =	vadd.scan.msk.s32 $0xffff, v7  }
0x120: {  	s25 =	sadd.s32 s25, s26;
	v6 =	vadd.s32 v6, v8  }
0x121: {  	[tilespmem:s25+$0x12600] =	vst.msk vm0, v6  }
0x122: {  	v6 =	vld [tilespmem:s22+$0x10]  }
0x123: {  	v7 =	vld [tilespmem:s20+$0x10]  }
0x124: {  	v8 =	vld [tilespmem:s19+$0x10]  }
0x125: {  	v9, _, _ =	vpop (xrf0)  }
0x126: {  	(v2sf) =	vpush v9, $0xF  }
0x127: {  	v9 =	vadd.f32 $2.000000000e+00, v6  }
0x128: {  	v10 =	vand.u32 $0x7FFFFFFF, v7;
	v7 =	vsub.f32 $4.000000000e+01, v7  }
0x129: {  	vm0 =	vlt.f32 v8, $8.000000000e+01;
	vm1 =	vlt.f32 v10, $4.000000000e+01;
	v9 =	vmul.f32 $4.000000000e+00, v9  }
0x12a: {  	vm2 =	vgt.f32 v8, $0.0e+00;
	vm0 =	vmand vm0, vm1;
	v7 =	vmul.f32 $4.000000000e+00, v7  }
0x12b: {  	v8 =	vmul.f32 $4.000000000e+00, v8;
	vm0 =	vmand vm0, vm2;
	v9 =	vtrunc.f32 v9  }
0x12c: {  	v7 =	vtrunc.f32 v7;
	v9 =	vcvt.f32.s32 v9  }
0x12d: {  	vm1 =	vlt.f32 v6, $4.000000000e+00;
	v8 =	vtrunc.f32 v8  }
0x12e: {  	s26 =	sadd.s32 $0xFFFFFFE0, s18;
	vm2 =	vgt.f32 v6, $-2.000000000e+00;
	v6 =	vcvt.f32.s32 v7;
	v7 =	vmul.u32 $0x140, v9  }
0x12f: {  	vm0 =	vmand vm2, vm0;
	v8 =	vcvt.f32.s32 v8;
	v9 =	vmov s26  }
0x130: {  	vm0 =	vmand vm1, vm0;
	vm1 =	vlt.u32 v9, v4;
	v6 =	vadd.s32 v6, v7  }
0x131: {  	vm0 =	vmand vm1, vm0;
	v6 =	vmul.u32 $0x140, v6  }
0x132: {  	v7 =	vsel vm0, $0x1, v2  }
0x133: {  	(xrf0) =	vadd.scan.msk.s32 $0xffff, v7;
	_ =	sdelay $0x1  }
0x134: {  	v7 =	vadd.s32 v8, v0;
	s26 =	spop (v2sf)  }
0x135: {  	v6 =	vadd.s32 v6, v7;
	s25 =	sadd.s32 s25, s26  }
0x136: {  	[tilespmem:s25+$0x12600] =	vst.msk vm0, v6  }
0x137: {  	v6 =	vld [tilespmem:s20+$0x20]  }
0x138: {  	v7 =	vld [tilespmem:s22+$0x20];
	v8, _, _ =	vpop (xrf0)  }
0x139: {  	v9 =	vld [tilespmem:s19+$0x20];
	(v2sf) =	vpush v8, $0xF;
	_ =	sdelay $0x2  }
0x13a: {  	v8 =	vand.u32 $0x7FFFFFFF, v6;
	v6 =	vsub.f32 $4.000000000e+01, v6  }
0x13b: {  	vm0 =	vlt.f32 v8, $4.000000000e+01;
	vm1 =	vlt.f32 v7, $4.000000000e+00;
	v8 =	vadd.f32 $2.000000000e+00, v7  }
0x13c: {  	vm2 =	vlt.f32 v9, $8.000000000e+01;
	v10 =	vmul.f32 $4.000000000e+00, v9;
	v6 =	vmul.f32 $4.000000000e+00, v6  }
0x13d: {  	vm3 =	vgt.f32 v9, $0.0e+00;
	vm0 =	vmand vm2, vm0;
	v8 =	vmul.f32 $4.000000000e+00, v8  }
0x13e: {  	s26 =	sadd.s32 $0xFFFFFFF0, s18;
	vm2 =	vgt.f32 v7, $-2.000000000e+00;
	vm0 =	vmand vm0, vm3;
	v7 =	vtrunc.f32 v10  }
0x13f: {  	v9 =	vmov s26;
	vm0 =	vmand vm2, vm0;
	v8 =	vtrunc.f32 v8  }
0x140: {  	vm0 =	vmand vm1, vm0;
	vm1 =	vlt.u32 v9, v4;
	v8 =	vcvt.f32.s32 v8  }
0x141: {  	v6 =	vtrunc.f32 v6;
	v7 =	vcvt.f32.s32 v7;
	vm0 =	vmand vm1, vm0  }
0x142: {  	v6 =	vcvt.f32.s32 v6;
	v8 =	vmul.u32 $0x140, v8;
	v9 =	vsel vm0, $0x1, v2  }
0x143: {  	(xrf0) =	vadd.scan.msk.s32 $0xffff, v9  }
0x144: {  	s22 =	sadd.s32 $0x80, s22;
	v6 =	vadd.s32 v6, v8  }
0x145: {  	v6 =	vmul.u32 $0x140, v6  }
0x146: {  	v7 =	vadd.s32 v7, v0;
	s26 =	spop (v2sf)  }
0x147: {  	s25 =	sadd.s32 s25, s26;
	v6 =	vadd.s32 v6, v7  }
0x148: {  	[tilespmem:s25+$0x12600] =	vst.msk vm0, v6  }
0x149: {  	v6 =	vld [tilespmem:s21+$0x30];
	v7, _, _ =	vpop (xrf0);
	s21 =	smov.u32 s22  }
0x14a: {  	v8 =	vld [tilespmem:s20+$0x30];
	(v2sf) =	vpush v7, $0xF  }
0x14b: {  	v7 =	vld [tilespmem:s19+$0x30];
	_ =	sdelay $0x2  }
0x14c: {  	v9 =	vmov s18;
	s18 =	smov.u32 s24;
	v10 =	vadd.f32 $2.000000000e+00, v6  }
0x14d: {  	s20 =	sadd.s32 $0x80, s20;
	s19 =	sadd.s32 $0x80, s19;
	vm0 =	vlt.f32 v6, $4.000000000e+00;
	v11 =	vand.u32 $0x7FFFFFFF, v8;
	v8 =	vsub.f32 $4.000000000e+01, v8  }
0x14e: {  	vm1 =	vlt.f32 v7, $8.000000000e+01;
	vm2 =	vlt.f32 v11, $4.000000000e+01;
	v10 =	vmul.f32 $4.000000000e+00, v10  }
.Ltmp4:
0x14f: {  	vm3 =	vgt.f32 v7, $0.0e+00;
	vm1 =	vmand vm1, vm2;
	v8 =	vmul.f32 $4.000000000e+00, v8;
	(pc) =	sbr.rel @p0 .LBB2_6-.Ltmp4, $4  }
0x150: {  	vm2 =	vgt.f32 v6, $-2.000000000e+00;
	vm1 =	vmand vm1, vm3;
	v6 =	vtrunc.f32 v10  }
0x151: {  	vm1 =	vmand vm2, vm1;
	v8 =	vtrunc.f32 v8;
	v10 =	vcvt.f32.s32 v6  }
0x152: {  	v7 =	vmul.f32 $4.000000000e+00, v7;
	vm0 =	vmand vm0, vm1;
	vm1 =	vlt.u32 v9, v4  }
0x153: {  	v6 =	vcvt.f32.s32 v8;
	vm0 =	vmand vm1, vm0;
	v8 =	vmul.u32 $0x140, v10  }
0x154: {  	v9 =	vsel vm0, $0x1, v2  }
0x155: {  	v7 =	vtrunc.f32 v7;
	(xrf0) =	vadd.scan.msk.s32 $0xffff, v9  }
0x156: {  	v7 =	vcvt.f32.s32 v7;
	v6 =	vadd.s32 v6, v8  }
0x157: {  	v6 =	vmul.u32 $0x140, v6  }
0x158: {  	v7 =	vadd.s32 v7, v0;
	s23 =	spop (v2sf)  }
0x159: {  	s23 =	sadd.s32 s25, s23;
	v6 =	vadd.s32 v6, v7  }
0x15a: {  	[tilespmem:s23+$0x12600] =	vst.msk vm0, v6  }
0x15b: {  	v6 =	vld [tilespmem:s22+$0xFFFFFFC0];
	v7, _, _ =	vpop (xrf0)  }
0x15c: {  	v16 =	vld [tilespmem:s20+$0xFFFFFFC0];
	(v2sf) =	vpush v7, $0xF  }
0x15d: {  	v7 =	vld [tilespmem:s19+$0xFFFFFFC0];
	_ =	sdelay $0x1  }
0x15e: {  	s24 =	sadd.s32 $0xFFFFFF90, s18  }
0x15f: {  	v17 =	vmov s24;
	v10 =	vadd.f32 $2.000000000e+00, v6  }
0x160: {  	v11 =	vand.u32 $0x7FFFFFFF, v16;
	v8 =	vsub.f32 $4.000000000e+01, v16;
	vm10 =	vlt.f32 v6, $4.000000000e+00  }
0x161: {  	vm1 =	vlt.f32 v11, $4.000000000e+01;
	vm9 =	vlt.f32 v7, $8.000000000e+01;
	v10 =	vmul.f32 $4.000000000e+00, v10  }
0x162: {  	vm11 =	vgt.f32 v6, $-2.000000000e+00;
	vm2 =	vgt.f32 v7, $0.0e+00;
	vm0 =	vmand vm9, vm1  }
0x163: {  	v6 =	vmul.f32 $4.000000000e+00, v8;
	vm0 =	vmand vm0, vm2;
	v18 =	vtrunc.f32 v10  }
0x164: {  	vm12 =	vlt.u32 v17, v4;
	vm0 =	vmand vm11, vm0;
	v8 =	vcvt.f32.s32 v18  }
0x165: {  	v7 =	vmul.f32 $4.000000000e+00, v7;
	v6 =	vtrunc.f32 v6;
	vm0 =	vmand vm10, vm0  }
0x166: {  	v6 =	vcvt.f32.s32 v6;
	vm0 =	vmand vm12, vm0;
	v8 =	vmul.u32 $0x140, v8  }
0x167: {  	v7 =	vtrunc.f32 v7;
	v19 =	vsel vm0, $0x1, v2  }
0x168: {  	v7 =	vcvt.f32.s32 v7;
	(xrf0) =	vadd.scan.msk.s32 $0xffff, v19;
	v6 =	vadd.s32 v6, v8  }
0x169: {  	v6 =	vmul.u32 $0x140, v6  }
0x16a: {  	v7 =	vadd.s32 v7, v0;
	s31 =	spop (v2sf)  }
0x16b: {  	v6 =	vadd.s32 v6, v7;
	s23 =	sadd.s32 s23, s31  }
0x16c: {  	[tilespmem:s23+$0x12600] =	vst.msk vm0, v6  }
0x16d: {  	v6 =	vld [tilespmem:s22+$0xFFFFFFD0]  }
0x16e: {  	v7, _, _ =	vpop (xrf0);
	v20 =	vld [tilespmem:s19+$0xFFFFFFD0]  }
0x16f: {  	(v2sf) =	vpush v7, $0xF;
	v7 =	vld [tilespmem:s20+$0xFFFFFFD0];
	_ =	sdelay $0x3  }
0x170: {  	v21 =	vadd.f32 $2.000000000e+00, v6;
	vm13 =	vgt.f32 v6, $-2.000000000e+00  }
0x171: {  	vm14 =	vlt.f32 v6, $4.000000000e+00;
	vm15 =	vlt.f32 v20, $8.000000000e+01;
	v6 =	vand.u32 $0x7FFFFFFF, v7  }
0x172: {  	s25 =	sadd.s32 $0xFFFFFFA0, s18;
	v7 =	vsub.f32 $4.000000000e+01, v7;
	v9 =	vmul.f32 $4.000000000e+00, v21;
	vm3 =	vlt.f32 v6, $4.000000000e+01  }
0x173: {  	v22 =	vmov s25;
	vm4 =	vgt.f32 v20, $0.0e+00;
	vm2 =	vmand vm15, vm3  }
0x174: {  	v6 =	vmul.f32 $4.000000000e+00, v7;
	v7 =	vtrunc.f32 v9;
	vm2 =	vmand vm2, vm4  }
0x175: {  	vm8 =	vlt.u32 v22, v4;
	v7 =	vcvt.f32.s32 v7;
	vm0 =	vmand vm13, vm2  }
0x176: {  	v8 =	vmul.f32 $4.000000000e+00, v20;
	v6 =	vtrunc.f32 v6;
	vm0 =	vmand vm14, vm0  }
0x177: {  	v6 =	vcvt.f32.s32 v6;
	v7 =	vmul.u32 $0x140, v7;
	vm0 =	vmand vm8, vm0  }
0x178: {  	v8 =	vtrunc.f32 v8;
	v23 =	vsel vm0, $0x1, v2  }
0x179: {  	v8 =	vcvt.f32.s32 v8;
	v6 =	vadd.s32 v6, v7;
	(xrf0) =	vadd.scan.msk.s32 $0xffff, v23  }
0x17a: {  	v6 =	vmul.u32 $0x140, v6  }
0x17b: {  	v7 =	vadd.s32 v8, v0;
	s26 =	spop (v2sf)  }
0x17c: {  	s23 =	sadd.s32 s23, s26;
	v6 =	vadd.s32 v6, v7  }
0x17d: {  	[tilespmem:s23+$0x12600] =	vst.msk vm0, v6  }
0x17e: {  	v6 =	vld [tilespmem:s20+$0xFFFFFFE0]  }
0x17f: {  	v7 =	vld [tilespmem:s22+$0xFFFFFFE0];
	v24, _, _ =	vpop (xrf0)  }
0x180: {  	v25 =	vld [tilespmem:s19+$0xFFFFFFE0];
	(v2sf) =	vpush v24, $0xF;
	_ =	sdelay $0x3  }
0x181: {  	v26 =	vand.u32 $0x7FFFFFFF, v6;
	v27 =	vadd.f32 $2.000000000e+00, v7  }
0x182: {  	v6 =	vsub.f32 $4.000000000e+01, v6;
	vm9 =	vlt.f32 v25, $8.000000000e+01;
	vm11 =	vgt.f32 v25, $0.0e+00  }
0x183: {  	v9 =	vmul.f32 $4.000000000e+00, v25;
	vm10 =	vlt.f32 v26, $4.000000000e+01;
	v28 =	vmul.f32 $4.000000000e+00, v27  }
0x184: {  	vm12 =	vgt.f32 v7, $-2.000000000e+00;
	vm13 =	vlt.f32 v7, $4.000000000e+00;
	vm0 =	vmand vm9, vm10  }
0x185: {  	s28 =	sadd.s32 $0xFFFFFFB0, s18;
	v6 =	vmul.f32 $4.000000000e+00, v6;
	vm0 =	vmand vm0, vm11;
	v8 =	vtrunc.f32 v28  }
0x186: {  	v7 =	vmov s28;
	vm0 =	vmand vm12, vm0;
	v8 =	vcvt.f32.s32 v8  }
0x187: {  	vm14 =	vlt.u32 v7, v4;
	v6 =	vtrunc.f32 v6;
	vm0 =	vmand vm13, vm0  }
0x188: {  	v6 =	vcvt.f32.s32 v6;
	vm0 =	vmand vm14, vm0;
	v7 =	vmul.u32 $0x140, v8  }
0x189: {  	v29 =	vtrunc.f32 v9;
	v30 =	vsel vm0, $0x1, v2  }
0x18a: {  	v8 =	vcvt.f32.s32 v29;
	(xrf0) =	vadd.scan.msk.s32 $0xffff, v30;
	v6 =	vadd.s32 v6, v7  }
0x18b: {  	v6 =	vmul.u32 $0x140, v6  }
0x18c: {  	v7 =	vadd.s32 v8, v0;
	s29 =	spop (v2sf)  }
0x18d: {  	v6 =	vadd.s32 v6, v7;
	s23 =	sadd.s32 s23, s29  }
0x18e: {  	[tilespmem:s23+$0x12600] =	vst.msk vm0, v6  }
0x18f: {  	v6 =	vld [tilespmem:s20+$0xFFFFFFF0]  }
0x190: {  	v31, _, _ =	vpop (xrf0);
	v7 =	vld [tilespmem:s22+$0xFFFFFFF0]  }
0x191: {  	(v2sf) =	vpush v31, $0xF;
	v32 =	vld [tilespmem:s19+$0xFFFFFFF0];
	_ =	sdelay $0x2  }
0x192: {  	s30 =	sadd.s32 $0xFFFFFFC0, s18  }
0x193: {  	v36 =	vmov s30;
	v33 =	vand.u32 $0x7FFFFFFF, v6;
	v34 =	vadd.f32 $2.000000000e+00, v7  }
0x194: {  	v6 =	vsub.f32 $4.000000000e+01, v6;
	vm7 =	vlt.f32 v32, $8.000000000e+01;
	vm15 =	vlt.f32 v33, $4.000000000e+01  }
0x195: {  	vm8 =	vgt.f32 v32, $0.0e+00;
	v10 =	vmul.f32 $4.000000000e+00, v34;
	vm0 =	vmand vm7, vm15  }
0x196: {  	vm6 =	vlt.f32 v7, $4.000000000e+00;
	vm9 =	vgt.f32 v7, $-2.000000000e+00;
	vm0 =	vmand vm0, vm8  }
0x197: {  	v6 =	vmul.f32 $4.000000000e+00, v6;
	v7 =	vtrunc.f32 v10;
	vm0 =	vmand vm9, vm0  }
0x198: {  	vm10 =	vlt.u32 v36, v4;
	v7 =	vcvt.f32.s32 v7;
	vm0 =	vmand vm6, vm0  }
0x199: {  	v35 =	vmul.f32 $4.000000000e+00, v32;
	v6 =	vtrunc.f32 v6;
	vm0 =	vmand vm10, vm0  }
0x19a: {  	v6 =	vcvt.f32.s32 v6;
	v7 =	vmul.u32 $0x140, v7;
	v38 =	vsel vm0, $0x1, v2  }
0x19b: {  	v37 =	vtrunc.f32 v35;
	(xrf0) =	vadd.scan.msk.s32 $0xffff, v38  }
0x19c: {  	v8 =	vcvt.f32.s32 v37;
	v6 =	vadd.s32 v6, v7  }
0x19d: {  	v6 =	vmul.u32 $0x140, v6  }
0x19e: {  	v7 =	vadd.s32 v8, v0;
	s31 =	spop (v2sf)  }
0x19f: {  	s23 =	sadd.s32 s23, s31;
	v6 =	vadd.s32 v6, v7  }
0x1a0: {  	[tilespmem:s23+$0x12600] =	vst.msk vm0, v6  }
0x1a1: {  	v7, _, _ =	vpop (xrf0);
	v39 =	vld [tilespmem:s22+$0x0]  }
0x1a2: {  	v6 =	vld [tilespmem:s20+$0x0];
	(v2sf) =	vpush v7, $0xF  }
0x1a3: {  	v7 =	vld [tilespmem:s19+$0x0];
	_ =	sdelay $0x1  }
0x1a4: {  	s25 =	sadd.s32 $0xFFFFFFD0, s18  }
0x1a5: {  	v44 =	vmov s25;
	v41 =	vadd.f32 $2.000000000e+00, v39  }
0x1a6: {  	vm8 =	vlt.u32 v44, v4;
	v40 =	vsub.f32 $4.000000000e+01, v6;
	v6 =	vand.u32 $0x7FFFFFFF, v6  }
0x1a7: {  	vm11 =	vlt.f32 v6, $4.000000000e+01;
	vm13 =	vlt.f32 v7, $8.000000000e+01;
	v42 =	vmul.f32 $4.000000000e+00, v41  }
0x1a8: {  	vm12 =	vgt.f32 v39, $-2.000000000e+00;
	vm15 =	vgt.f32 v7, $0.0e+00;
	vm0 =	vmand vm13, vm11  }
0x1a9: {  	v6 =	vmul.f32 $4.000000000e+00, v40;
	vm0 =	vmand vm0, vm15;
	v43 =	vtrunc.f32 v42  }
0x1aa: {  	vm14 =	vlt.f32 v39, $4.000000000e+00;
	vm0 =	vmand vm12, vm0;
	v8 =	vcvt.f32.s32 v43  }
0x1ab: {  	v7 =	vmul.f32 $4.000000000e+00, v7;
	v6 =	vtrunc.f32 v6;
	vm0 =	vmand vm14, vm0  }
0x1ac: {  	v6 =	vcvt.f32.s32 v6;
	vm0 =	vmand vm8, vm0;
	v8 =	vmul.u32 $0x140, v8  }
0x1ad: {  	v7 =	vtrunc.f32 v7;
	v45 =	vsel vm0, $0x1, v2  }
0x1ae: {  	v7 =	vcvt.f32.s32 v7;
	(xrf0) =	vadd.scan.msk.s32 $0xffff, v45;
	v6 =	vadd.s32 v6, v8  }
0x1af: {  	v6 =	vmul.u32 $0x140, v6  }
0x1b0: {  	v7 =	vadd.s32 v7, v0;
	s26 =	spop (v2sf)  }
0x1b1: {  	s23 =	sadd.s32 s23, s26;
	v6 =	vadd.s32 v6, v7  }
0x1b2: {  	[tilespmem:s23+$0x12600] =	vst.msk vm0, v6  }
0x1b3: {  	v6 =	vld [tilespmem:s22+$0x10]  }
0x1b4: {  	v7 =	vld [tilespmem:s20+$0x10];
	v46, _, _ =	vpop (xrf0)  }
0x1b5: {  	v47 =	vld [tilespmem:s19+$0x10];
	(v2sf) =	vpush v46, $0xF;
	_ =	sdelay $0x3  }
0x1b6: {  	v48 =	vadd.f32 $2.000000000e+00, v6;
	v49 =	vand.u32 $0x7FFFFFFF, v7;
	v7 =	vsub.f32 $4.000000000e+01, v7  }
0x1b7: {  	vm9 =	vlt.f32 v47, $8.000000000e+01;
	vm11 =	vgt.f32 v47, $0.0e+00;
	vm10 =	vlt.f32 v49, $4.000000000e+01  }
0x1b8: {  	s28 =	sadd.s32 $0xFFFFFFE0, s18;
	vm12 =	vgt.f32 v6, $-2.000000000e+00;
	v8 =	vmul.f32 $4.000000000e+00, v48;
	vm0 =	vmand vm9, vm10  }
0x1b9: {  	vm13 =	vlt.f32 v6, $4.000000000e+00;
	v6 =	vmov s28;
	vm0 =	vmand vm0, vm11  }
0x1ba: {  	v7 =	vmul.f32 $4.000000000e+00, v7;
	v8 =	vtrunc.f32 v8;
	vm0 =	vmand vm12, vm0  }
0x1bb: {  	vm14 =	vlt.u32 v6, v4;
	v8 =	vcvt.f32.s32 v8;
	vm0 =	vmand vm13, vm0  }
0x1bc: {  	v6 =	vmul.f32 $4.000000000e+00, v47;
	v7 =	vtrunc.f32 v7;
	vm0 =	vmand vm14, vm0  }
0x1bd: {  	v7 =	vcvt.f32.s32 v7;
	v8 =	vmul.u32 $0x140, v8;
	v50 =	vsel vm0, $0x1, v2  }
0x1be: {  	v6 =	vtrunc.f32 v6;
	(xrf0) =	vadd.scan.msk.s32 $0xffff, v50  }
0x1bf: {  	v6 =	vcvt.f32.s32 v6;
	v7 =	vadd.s32 v7, v8  }
0x1c0: {  	v7 =	vmul.u32 $0x140, v7  }
0x1c1: {  	v6 =	vadd.s32 v6, v0;
	s29 =	spop (v2sf)  }
0x1c2: {  	s23 =	sadd.s32 s23, s29;
	v6 =	vadd.s32 v7, v6  }
0x1c3: {  	[tilespmem:s23+$0x12600] =	vst.msk vm0, v6  }
0x1c4: {  	v6 =	vld [tilespmem:s22+$0x20];
	v7, _, _ =	vpop (xrf0)  }
0x1c5: {  	(v2sf) =	vpush v7, $0xF  }
0x1c6: {  	v7 =	vld [tilespmem:s20+$0x20];
	_ =	sdelay $0x2  }
0x1c7: {  	v51 =	vld [tilespmem:s19+$0x20];
	v52 =	vadd.f32 $2.000000000e+00, v6;
	_ =	sdelay $0x1  }
0x1c8: {  	v53 =	vsub.f32 $4.000000000e+01, v7;
	v9 =	vmul.f32 $4.000000000e+00, v52;
	_ =	sdelay $0x1  }
0x1c9: {  	v7 =	vand.u32 $0x7FFFFFFF, v7;
	v10 =	vmul.f32 $4.000000000e+00, v53;
	v9 =	vtrunc.f32 v9  }
0x1ca: {  	vm4 =	vlt.f32 v51, $8.000000000e+01;
	vm15 =	vlt.f32 v7, $4.000000000e+01;
	v7 =	vcvt.f32.s32 v9  }
0x1cb: {  	v54 =	vmul.f32 $4.000000000e+00, v51;
	vm5 =	vgt.f32 v51, $0.0e+00;
	v55 =	vtrunc.f32 v10  }
0x1cc: {  	vm6 =	vlt.f32 v6, $4.000000000e+00;
	v8 =	vcvt.f32.s32 v55;
	v7 =	vmul.u32 $0x140, v7  }
0x1cd: {  	vm7 =	vgt.f32 v6, $-2.000000000e+00;
	vm0 =	vmand vm4, vm15;
	v9 =	vtrunc.f32 v54  }
0x1ce: {  	s30 =	sadd.s32 $0xFFFFFFF0, s18;
	vm0 =	vmand vm0, vm5;
	v6 =	vcvt.f32.s32 v9;
	v7 =	vadd.s32 v8, v7  }
0x1cf: {  	v56 =	vmov s30;
	vm0 =	vmand vm7, vm0;
	v7 =	vmul.u32 $0x140, v7  }
0x1d0: {  	vm8 =	vlt.u32 v56, v4;
	vm0 =	vmand vm6, vm0;
	v6 =	vadd.s32 v6, v0;
	s31 =	spop (v2sf)  }
0x1d1: {  	vm0 =	vmand vm8, vm0;
	s22 =	sadd.s32 s23, s31;
	v6 =	vadd.s32 v7, v6  }
0x1d2: {  	[tilespmem:s22+$0x12600] =	vst.msk vm0, v6  }
0x1d3: {  	v6 =	vld [tilespmem:s20+$0x30]  }
0x1d4: {  	v7 =	vld [tilespmem:s19+$0x30];
	_ =	sdelay $0x1  }
0x1d5: {  	v57 =	vld [tilespmem:s21+$0x30];
	_ =	sdelay $0x1  }
0x1d6: {  	v58 =	vand.u32 $0x7FFFFFFF, v6  }
0x1d7: {  	vm9 =	vlt.f32 v7, $8.000000000e+01;
	vm10 =	vlt.f32 v58, $4.000000000e+01  }
0x1d8: {  	vm11 =	vgt.f32 v7, $0.0e+00;
	vm1 =	vmand vm9, vm10  }
0x1d9: {  	vm12 =	vgt.f32 v57, $-2.000000000e+00;
	vm1 =	vmand vm1, vm11  }
0x1da: {  	v59 =	vmov s18;
	vm13 =	vlt.f32 v57, $4.000000000e+00;
	vm1 =	vmand vm12, vm1  }
0x1db: {  	vm14 =	vlt.u32 v59, v4;
	vm1 =	vmand vm13, vm1  }
0x1dc: {  	v60 =	vsel vm0, $0x1, v2;
	vm15 =	vmand vm14, vm1  }
0x1dd: {  	(xrf0) =	vadd.scan.msk.s32 $0xffff, v60;
	v61 =	vsel vm15, $0x1, v2  }
0x1de: {  	(xrf0) =	vadd.scan.msk.s32 $0xffff, v61;
	_ =	sdelay $0x4  }
0x1df: {  	v62, _, _ =	vpop (xrf0)  }
0x1e0: {  	(v2sf) =	vpush v62, $0xF;
	v63, _, _ =	vpop (xrf0)  }
0x1e1: {  	(v2sf) =	vpush v63, $0xF;
	_ =	sdelay $0xd  }
0x1e2: {  	s23 =	spop (v2sf)  }
0x1e3: {  	s21 =	sadd.s32 s22, s23;
	s24 =	spop (v2sf)  }
0x1e4: {  	s19 =	sadd.s32 s21, s24  }
0x1e5: {  	s18 =	sadd.s32 $0x7F, s19  }
0x1e6: {  	s25 =	sand.u32 $0x7F, s18  }
0x1e7: {  	s26 =	sshra.s32 s18, $0x1F;
	p0 =	slt.s32 s18, $0x1;
	p1 =	sne.s32 s25, $0x0  }
0x1e8: {  	s28 =	sshrl.u32 s26, $0x19;
	p0 =	por !p0, !p1  }
0x1e9: {  	s20 =	simm.s32 $0x1;
	s18 =	sadd.s32 s28, s18;
	p0 =	por !p0, !p0  }
0x1ea: {  	s18 =	sshra.s32 s18, $0x7;
	s20 =	simm.s32 @!p0 $0x0  }
0x1eb: {  	s18 =	ssub.s32 s18, s20  }
0x1ec: {  	s20 =	sshll.u32 s18, $0x7  }
0x1ed: {  	v8 =	vadd.f32 $2.000000000e+00, v57;
	s20 =	ssub.s32 s20, s19  }
0x1ee: {  	s20 =	sadd.s32 $0xF, s20  }
0x1ef: {  	v6 =	vsub.f32 $4.000000000e+01, v6;
	v8 =	vmul.f32 $4.000000000e+00, v8;
	s29 =	sand.u32 $0xF, s20  }
0x1f0: {  	s30 =	sshra.s32 s20, $0x1F;
	p5 =	slt.s32 s20, $0x1;
	p6 =	sne.s32 s29, $0x0  }
0x1f1: {  	v6 =	vmul.f32 $4.000000000e+00, v6;
	v8 =	vtrunc.f32 v8;
	s31 =	sshrl.u32 s30, $0x1C;
	p0 =	por !p5, !p6  }
0x1f2: {  	v8 =	vcvt.f32.s32 v8;
	s22 =	simm.s32 $0x1;
	s20 =	sadd.s32 s31, s20;
	p0 =	por !p0, !p0  }
0x1f3: {  	v7 =	vmul.f32 $4.000000000e+00, v7;
	v6 =	vtrunc.f32 v6;
	s20 =	sshra.s32 s20, $0x4;
	s22 =	simm.s32 @!p0 $0x0  }
0x1f4: {  	v6 =	vcvt.f32.s32 v6;
	v8 =	vmul.u32 $0x140, v8;
	s20 =	ssub.s32 s20, s22  }
0x1f5: {  	v7 =	vtrunc.f32 v7;
	p0 =	slt.s32 s20, $0x1  }
.Ltmp5:
0x1f6: {  	v7 =	vcvt.f32.s32 v7;
	v6 =	vadd.s32 v6, v8;
	(pc) =	sbr.rel @p0 .LBB2_10-.Ltmp5, $4  }
0x1f7: {  	v6 =	vmul.u32 $0x140, v6  }
0x1f8: {  	v7 =	vadd.s32 v7, v0  }
0x1f9: {  	v6 =	vadd.s32 v6, v7  }
0x1fa: {  	[tilespmem:s21+$0x12600] =	vst.msk vm15, v6  }
0x1fb: {  	s21 =	simm.s32 $0x0;
	p0 =	sne.s32 s20, $0x1  }
.Ltmp6:
0x1fc: {  	v6 =	vmov s21;
	(pc) =	sbr.rel @!p0 .LBB2_10-.Ltmp6, $4  }
0x1fd: {  	v6 =	vshll.u32 v6, $0x4  }
0x1fe: {  	v6 =	vor.u32 v5, v6  }
0x1ff: {  	s19 =	sadd.s32 $0x12600, s19;
	v6 =	vadd.s32 v1, v6  }
0x200: {  	s20 =	sadd.s32 $0xFFFFFFFF, s20;
	s21 =	simm.s32 $0x10;
	[tilespmem:s19+$0x0] =	vst v6  }
.LBB2_9:
0x201: {  	v6 =	vmov s21;
	p0 =	sne.s32 s20, $0x1;
	s20 =	sadd.s32 $0xFFFFFFFF, s20  }
.Ltmp7:
0x202: {  	v6 =	vshll.u32 v6, $0x4;
	(pc) =	sbr.rel @p0 .LBB2_9-.Ltmp7, $4  }
0x203: {  	v6 =	vor.u32 v5, v6  }
0x204: {  	s19 =	sadd.s32 $0x10, s19;
	v6 =	vadd.s32 v1, v6  }
0x205: {  	[tilespmem:s19+$0x0] =	vst v6  }
0x206: {  	s21 =	sadd.s32 $0x10, s21  }
.LBB2_10:
0x207: {  	_ =	swait.ge [sflag:s13], $0x2000  }
0x208: {  	s19 =	simm.s32 $0x25;
	[sflag:s13] =	ssyncset.done $0x0  }
.LBB2_11:
0x209: {  	p0 =	sne.s32 s19, $0x1;
	s19 =	sadd.s32 $0xFFFFFFFF, s19;
	[sflag:s13] =	ssyncadd.s32 $0xFFFFE000  }
.Ltmp8:
0x20a: {  	(pc) =	sbr.rel @p0 .LBB2_11-.Ltmp8, $3  }
0x20b: {  	_ =	sdelay $0x1  }
0x20c: {  	_ =	swait.ge [sflag:s13], $0x2000  }
0x20d: {  	[sflag:s13] =	ssyncset.done $0x0  }
0x20e: {  	p0 =	slt.s32 s18, $0x1  }
.Ltmp9:
0x20f: {  	_ = 	snop;
	(pc) =	sbr.rel @p0 .LBB2_18-.Ltmp9, $4  }
0x210: {  	_ = 	snop  }
0x211: {  	[sflag:s13] =	ssyncadd.s32 $0xFFFFE000  }
0x212: {  	[bflag:$0x0] =	sbarrier.arrive $0xFFFF  }
0x213: {  	s19 =	simm.s32 $0x12600  }
0x214: {  	p0 =	sne.s32 s18, $0x1  }
.Ltmp10:
0x215: {  	_ = 	snop;
	(pc) =	sbr.rel @!p0 .LBB2_15-.Ltmp10, $3  }
0x216: {  	_ =	sdelay $0x1  }
0x217: {  	[hbm4b:s3+s14] =	stream.indirect.scatter [tilespmem:s15], [sflag:$0x3], $0x1, s19, s14, $0xb8;
	[tilespmem:$0x1A900] =	vst v63  }
0x218: {  	s20 =	sadd.s32 $0xFFFFFFFF, s18  }
.LBB2_14:
0x219: {  	p0 =	sne.s32 s20, $0x1  }
.Ltmp11:
0x21a: {  	_ = 	snop;
	(pc) =	sbr.rel @p0 .LBB2_14-.Ltmp11, $3  }
0x21b: {  	_ = 	snop  }
0x21c: {  	s20 =	sadd.s32 $0xFFFFFFFF, s20;
	s19 =	sadd.s32 $0x80, s19;
	_ =	sdelay $0x1  }
0x21d: {  	[hbm4b:s3+s14] =	stream.indirect.scatter [tilespmem:s15], [sflag:$0x3], $0x1, s19, s14, $0xb8;
	[tilespmem:$0x1A900] =	vst v63  }
.LBB2_15:
0x21e: {  	p0 =	sne.s32 s18, $0x1  }
.Ltmp12:
0x21f: {  	_ = 	snop;
	(pc) =	sbr.rel @!p0 .LBB2_17-.Ltmp12, $3  }
0x220: {  	_ =	sdelay $0x1  }
0x221: {  	_ =	swait.ge [sflag:s16], $0x80  }
0x222: {  	s18 =	sadd.s32 $0xFFFFFFFF, s18;
	[sflag:s16] =	ssyncset.done $0x0  }
.LBB2_16:
0x223: {  	p0 =	sne.s32 s18, $0x1;
	s18 =	sadd.s32 $0xFFFFFFFF, s18;
	[sflag:s16] =	ssyncadd.s32 $0xFFFFFF80  }
.Ltmp13:
0x224: {  	(pc) =	sbr.rel @p0 .LBB2_16-.Ltmp13, $3  }
0x225: {  	_ =	sdelay $0x1  }
0x226: {  	_ =	swait.ge [sflag:s16], $0x80  }
0x227: {  	[sflag:s16] =	ssyncset.done $0x0  }
.Ltmp14:
0x228: {  	_ = 	snop;
	(pc) =	sbr.rel .LBB2_17-.Ltmp14, $1  }
0x229: {  	_ =	sdelay $0x3  }
.LBB2_19:
0x22a: {  	_ =	sfence.sel $0x180000  }
0x22b: {  	[bflag:$0x0] =	sbarrier.arrive $0xFFFF  }
0x22c: {  	p0 =	sne.s32 s0, $0x0;
	_ =	strace $0x90000047  }
0x22d: {  	s0 =	sadd.s32 @!p0 $0x100000, s1;
	[bflag:$0x2] =	sbarrier.arrive $0xFFFF  }
0x22e: {  	[sflag:s0] =	ssyncadd.tile.s32 @!p0 $0x1;
	_ =	shalt  }
.Lfunc_end2:
_tile_overlayer_lowered:
.L_overlay_start_2:
0x22f: {  	(tag) =	ssettag $0x2  }
0x230: {  	s0 =	rddreg [dreg:$0x0];
	s2 =	stileid.u32  }
0x231: {  	s1 =	rddreg [dreg:$0x1];
	p0 =	sne.s32 s2, $0x0  }
0x232: {  	s3 =	rddreg [dreg:$0x2];
	[bflag:$0x3] =	sbarrier.arrive $0xFFFF;
	s2 =	simm.s32 @!p0 $0x1C04  }
0x233: {  	[timem:s3], [sflag:s2] =	dma.local @!p0 [hbm:s0], s1  }
0x234: {  	s0 =	simm.s32 @!p0 $0x4  }
0x235: {  	_ =	swait.ge @!p0 [sflag:s0], s1  }
0x236: {  	s1 =	ssub.s32 @!p0 $0x0, s1;
	[sflag:s0] =	ssyncset.done @!p0 $0x0  }
0x237: {  	[sflag:s0] =	ssyncadd.s32 @!p0 s1  }
0x238: {  	[bflag:$0x3] =	sbarrier.arrive $0xFFFF  }
0x239: {  	_ =	shalt  }

// kernel: kernel.7.cloned.1.call-start
scs
__scs_entry_jumppad:
0x0: {  	(pc) =	sbr.rel $0x88, $3  }
0x1: {  	(tag) =	ssettag $0x0;
	lr =	simm.s32 $0x1  }
0x2: {  	[smem:$0x3FA0] =	sst lr;
	_ =	strace $0xD0000000  }
0x3: {  	_ = 	snop  }
0x4: {  	_ = 	snop  }
0x5: {  	_ = 	snop  }
0x6: {  	_ = 	snop  }
0x7: {  	_ = 	snop  }
__scs_overlays_trampoline_lowered:
0x8: {  	[smem:$0x3FAF] =	sst s0  }
0x9: {  	[smem:$0x3FB0] =	sst s1  }
0xa: {  	[smem:$0x3FB1] =	sst s2  }
0xb: {  	[smem:$0x3FB2] =	sst s3  }
0xc: {  	[smem:$0x3FB3] =	sst s4  }
0xd: {  	[smem:$0x3FB4] =	sst s5  }
0xe: {  	[smem:$0x3FB5] =	sst s6  }
0xf: {  	[smem:$0x3FB6] =	sst s7  }
0x10: {  	[smem:$0x3FB7] =	sst s8  }
0x11: {  	[smem:$0x3FB8] =	sst s9;
	s0 =	simm.s32 @!p0 $0x0  }
0x12: {  	s1 =	sld [smem:$0x3F9E];
	s0 =	simm.s32 @p0 $0x1  }
0x13: {  	[smem:$0x3FB9] =	sst s0;
	s0 =	simm.s32 @!p1 $0x0  }
0x14: {  	s2 =	sld [smem:$0x3F9D];
	s0 =	simm.s32 @p1 $0x1  }
0x15: {  	[smem:$0x3FBA] =	sst s0;
	s0 =	simm.s32 @!p2 $0x0  }
0x16: {  	s3 =	sld [smem:$0x3FDB];
	s0 =	simm.s32 @p2 $0x1  }
0x17: {  	s4 =	simm.s32 $0x1BF5;
	[smem:$0x3FBC] =	sst s0  }
0x18: {  	s0 =	sld [smem:$0x3F9F];
	_ =	swait.ge [sflag:s4], $0x0  }
0x19: {  	s7 =	sld [smem:$0x3FA0]  }
0x1a: {  	s8 =	sadd.s32 $0xFFFFE003, lr  }
0x1b: {  	s9 =	sadd.s32 $0xFFFFFEF7, lr;
	s5 =	simm.s32 $0xFFFFFFFF;
	p2 =	slt.u32 s8, $0xFFFFF086  }
0x1c: {  	p1 =	slt.u32 s9, $0xF7A;
	s5 =	simm.s32 @!p2 $0x0  }
0x1d: {  	s5 =	simm.s32 @p1 $0x1;
	p0 =	seq.s32 s7, s2  }
0x1e: {  	s7 =	smul.u32 @!p0 $0xF7A, s2;
	p2 =	seq.s32 @!p0 s5, $0x0  }
0x1f: {  	s9 =	smul.u32 $0xF7A, s1;
	s8 =	simm.s32 @!p0 $0x1BF5;
	p2 =	por !p2, p0  }
0x20: {  	[sflag:s8] =	ssyncset.s32 @!p0 $0xFFFFF086;
	s6 =	sadd.s32 @!p0 s3, s7;
	s7 =	simm.s32 @!p0 $0x108  }
0x21: {  	s3 =	sadd.s32 s3, s9;
	s6 =	sadd.s32 @!p0 $0x88, s6;
	s7 =	simm.s32 @p2 $0x1082  }
0x22: {  	[simem:s7], [sflag:s8] =	dma.local @!p0 [hbm:s6], $0xF7A  }
0x23: {  	s9 =	sor.u32 $0xD0000000, s2;
	s6 =	simm.s32 $0x108;
	_ =	swait.ge @!p0 [sflag:s8], $0x0  }
0x24: {  	s3 =	sadd.s32 $0x88, s3;
	s6 =	simm.s32 @!p1 $0x1082;
	[sflag:s4] =	ssyncset.s32 $0xFFFFF086  }
0x25: {  	[simem:s6], [sflag:s4] =	dma.local [hbm:s3], $0xF7A  }
0x26: {  	[smem:$0x3FA0] =	sst s1;
	(tag) =	ssettag s2;
	_ =	strace s9  }
0x27: {  	s1 =	sld [smem:$0x3FB0]  }
0x28: {  	s2 =	sld [smem:$0x3FB1]  }
0x29: {  	s4 =	sld [smem:$0x3FB3]  }
0x2a: {  	p0 =	seq.s32 s5, $0x0;
	s5 =	sld [smem:$0x3FB4]  }
0x2b: {  	s6 =	sld [smem:$0x3FB5]  }
0x2c: {  	s7 =	sld [smem:$0x3FB6]  }
0x2d: {  	s3 =	simm.s32 $0x108;
	s8 =	sld [smem:$0x3FB7]  }
0x2e: {  	s3 =	simm.s32 @!p0 $0x1082;
	s9 =	sld [smem:$0x3FB8]  }
0x2f: {  	lr =	sadd.s32 s0, s3;
	s0 =	sld [smem:$0x3FAF]  }
0x30: {  	s3 =	sld [smem:$0x3FB2]  }
0x31: {  	[smem:$0x3FBB] =	sst s10  }
0x32: {  	s10 =	sld [smem:$0x3FB9];
	_ =	sdelay $0x3  }
0x33: {  	p0 =	seq.s32 s10, $0x1;
	s10 =	sld [smem:$0x3FBB];
	_ =	sdelay $0x3  }
0x34: {  	[smem:$0x3FBB] =	sst s10  }
0x35: {  	s10 =	sld [smem:$0x3FBA];
	_ =	sdelay $0x3  }
0x36: {  	p1 =	seq.s32 s10, $0x1;
	s10 =	sld [smem:$0x3FBB];
	_ =	sdelay $0x3  }
0x37: {  	[smem:$0x3FBB] =	sst s10  }
0x38: {  	s10 =	sld [smem:$0x3FBC]  }
0x39: {  	_ = 	snop;
	(pc) =	sbr.ind lr, $3  }
0x3a: {  	_ = 	snop  }
0x3b: {  	_ = 	snop  }
0x3c: {  	p2 =	seq.s32 s10, $0x1;
	s10 =	sld [smem:$0x3FBB]  }
0x3d: {  	_ =	shalt  }
0x3e: {  	_ =	shalt  }
0x3f: {  	_ =	shalt  }
0x40: {  	_ =	shalt  }
0x41: {  	_ =	shalt  }
0x42: {  	_ =	shalt  }
0x43: {  	_ =	shalt  }
0x44: {  	_ =	shalt  }
0x45: {  	_ =	shalt  }
0x46: {  	_ =	shalt  }
0x47: {  	_ =	shalt  }
0x48: {  	_ =	shalt  }
0x49: {  	_ =	shalt  }
0x4a: {  	_ =	shalt  }
0x4b: {  	_ =	shalt  }
0x4c: {  	_ =	shalt  }
0x4d: {  	_ =	shalt  }
0x4e: {  	_ =	shalt  }
0x4f: {  	_ =	shalt  }
0x50: {  	_ =	shalt  }
0x51: {  	_ =	shalt  }
0x52: {  	_ =	shalt  }
0x53: {  	_ =	shalt  }
0x54: {  	_ =	shalt  }
0x55: {  	_ =	shalt  }
0x56: {  	_ =	shalt  }
0x57: {  	_ =	shalt  }
0x58: {  	_ =	shalt  }
0x59: {  	_ =	shalt  }
0x5a: {  	_ =	shalt  }
0x5b: {  	_ =	shalt  }
0x5c: {  	_ =	shalt  }
0x5d: {  	_ =	shalt  }
0x5e: {  	_ =	shalt  }
0x5f: {  	_ =	shalt  }
0x60: {  	_ =	shalt  }
0x61: {  	_ =	shalt  }
0x62: {  	_ =	shalt  }
0x63: {  	_ =	shalt  }
0x64: {  	_ =	shalt  }
0x65: {  	_ =	shalt  }
0x66: {  	_ =	shalt  }
0x67: {  	_ =	shalt  }
0x68: {  	_ =	shalt  }
0x69: {  	_ =	shalt  }
0x6a: {  	_ =	shalt  }
0x6b: {  	_ =	shalt  }
0x6c: {  	_ =	shalt  }
0x6d: {  	_ =	shalt  }
0x6e: {  	_ =	shalt  }
0x6f: {  	_ =	shalt  }
0x70: {  	_ =	shalt  }
0x71: {  	_ =	shalt  }
0x72: {  	_ =	shalt  }
0x73: {  	_ =	shalt  }
0x74: {  	_ =	shalt  }
0x75: {  	_ =	shalt  }
0x76: {  	_ =	shalt  }
0x77: {  	_ =	shalt  }
0x78: {  	_ =	shalt  }
0x79: {  	_ =	shalt  }
0x7a: {  	_ =	shalt  }
0x7b: {  	_ =	shalt  }
0x7c: {  	_ =	shalt  }
0x7d: {  	_ =	shalt  }
0x7e: {  	_ =	shalt  }
0x7f: {  	_ =	shalt  }
0x80: {  	_ =	shalt  }
0x81: {  	_ =	shalt  }
0x82: {  	_ =	shalt  }
0x83: {  	_ =	shalt  }
0x84: {  	_ =	shalt  }
0x85: {  	_ =	shalt  }
0x86: {  	_ =	shalt  }
0x87: {  	_ =	shalt  }
.Lfunc_end0:
.L_simem_size_0:
called_computation.1_lowered:
.L_overlay_start_0:
0x88: {  	s2 =	sld [smem:$0x3FD9]  }
0x89: {  	s3 =	sld [smem:$0x3FFE];
	_ =	sdelay $0x1  }
0x8a: {  	s1 =	srdreg.scid  }
0x8b: {  	s0 =	sand.u32 $0x1, s1  }
0x8c: {  	s17 =	sshll.u32 s0, $0xA;
	s2 =	sadd.s32 s3, s2  }
0x8d: {  	s2 =	sadd.s32 s2, s17  }
0x8e: {  	[smem:$0x3FC7] =	sst s2  }
0x8f: {  	_ = 	snop  }
0x90: {  	s2 =	sld [smem:$0x3FD0];
	(tm) =	ssettm $0x1  }
0x91: {  	s18 =	sld [smem:$0x3FFB];
	_ =	sdelay $0x3  }
0x92: {  	_ =	strace s18  }
0x93: {  	s3 =	sld [smem:$0x3FFC];
	_ =	sdelay $0x3  }
0x94: {  	_ =	strace s3  }
0x95: {  	s3 =	sld [smem:$0x3FFD];
	_ =	sdelay $0x3  }
0x96: {  	_ =	strace s3  }
0x97: {  	_ =	strace $0x8FFFFFFF  }
0x98: {  	s19 =	sld [smem:$0x3FDB];
	_ =	sdelay $0x1  }
0x99: {  	s4 =	simm.s32 $_scs_section_size  }
0x9a: {  	s5 =	simm.s32 $_size__tile_overlayer_lowered;
	s6 =	simm.s32 $_tile_overlayer_lowered  }
0x9b: {  	s22 =	simm.s32 $0x1BFF;
	s21 =	sshll.u32 s6, $0x1;
	s3 =	sadd.s32 s4, s19  }
0x9c: {  	s7 =	simm.s32 $0x0;
	s20 =	sshll.u32 s5, $0x1;
	s5 =	sadd.s32 s21, s3  }
0x9d: {  	[timem:s7], [sflag:s22] =	dma.local [hbm:s5], s20  }
0x9e: {  	_ =	swait.ge [sflag:s22], s20  }
0x9f: {  	s4 =	ssub.s32 $0x0, s20;
	[sflag:s22] =	ssyncset.done $0x0  }
0xa0: {  	[sflag:s22] =	ssyncadd.s32 s4;
	_ =	sdelay $0x1  }
0xa1: {  	s23 =	simm.s32 $0x1B8B  }
0xa2: {  	_ =	swait.ge [sflag:s23], $0x1  }
0xa3: {  	[sflag:s23] =	ssyncset.done $0x0  }
0xa4: {  	s25 =	simm.s32 $0x1B8E;
	s24 =	sld [smem:$0x3FFE];
	[sflag:s23] =	ssyncadd.s32 $0xFFFFFFFF  }
0xa5: {  	s26 =	simm.s32 $execute0_lowered;
	[smem:$0x3FD2] =	sst s25  }
0xa6: {  	s5 =	sshll.u32 s26, $0x1;
	_ =	strace $0x80000049;
	[dreg:$0x1] =	wrdreg $0xFFFFFFFF  }
0xa7: {  	s28 =	simm.s32 $_size_execute0_lowered;
	s3 =	sadd.s32 s3, s5;
	[dreg:$0x0] =	wrdreg $0x0  }
0xa8: {  	s5 =	sshll.u32 s28, $0x1;
	[dreg:$0x2] =	wrdreg s3  }
0xa9: {  	[dreg:$0x3] =	wrdreg s5  }
0xaa: {  	[dreg:$0x4] =	wrdreg $0xC0  }
0xab: {  	_ =	task [dreg:s7], $0x5FFFF  }
0xac: {  	[dreg:$0x1] =	wrdreg $0xFFFFFFFF  }
0xad: {  	[dreg:$0x0] =	wrdreg $0x60  }
0xae: {  	[dreg:$0x2] =	wrdreg s24  }
0xaf: {  	[dreg:$0x3] =	wrdreg s2  }
0xb0: {  	[dreg:$0x4] =	wrdreg $0x9  }
0xb1: {  	_ =	task.clear_ibuf [dreg:s7], $0x5FFFF;
	_ =	strace $0x90000049  }
0xb2: {  	s29 =	simm.s32 $0x9;
	_ =	strace $0x8000004B  }
0xb3: {  	_ =	swait.ge [sflag:s29], $0x1  }
0xb4: {  	[sflag:s29] =	ssyncadd.s32 $0xFFFFFFFF  }
0xb5: {  	_ =	strace $0x9000004B  }
0xb6: {  	_ =	sfence  }
0xb7: {  	s30 =	sld [smem:$0x0];
	_ =	sdelay $0x2  }
0xb8: {  	s31 =	sshll.u32 s1, $0xD;
	s1 =	sshrl.u32 s1, $0x2  }
0xb9: {  	s3 =	sand.u32 $0x4000, s31;
	s1 =	sadd.s32 s1, s30  }
0xba: {  	s0 =	sor.u32 s3, s0;
	s1 =	sshll.u32 s1, $0x11  }
0xbb: {  	s0 =	sor.u32 s1, s0  }
0xbc: {  	s0 =	sadd.s32 $0x8F2B, s0  }
0xbd: {  	[sflag:s0] =	ssyncadd.remote.s32 $0x1  }
0xbe: {  	_ =	sfence.sel $0xFFFF  }
0xbf: {  	[dreg:$0x0] =	wrdreg $0xFFFFFFFF;
	(pc) =	sbr.abs _section_cstart, $3  }
0xc0: {  	[dreg:$0x1] =	wrdreg $0xFFFFFFFF  }
0xc1: {  	_ =	task.clear_ibuf [dreg:s7], $0x2FFFF;
	_ =	strace $0x9FFFFFFF  }
0xc2: {  	(tm) =	ssettm $0x7FFFFFFF  }
0xc3: {  	_ =	shalt  }
tec
execute0_lowered:
.L_overlay_start_1:
0x0: {  	(tag) =	ssettag $0x1  }
0x1: {  	s1 =	srdreg.scid;
	s5 =	rddreg [dreg:$0x0]  }
0x2: {  	s0 =	stileid.u32;
	s2 =	rddreg [dreg:$0x1]  }
0x3: {  	s11 =	simm.s32 $0x1;
	s12 =	simm.s32 $0x3000;
	s13 =	simm.s32 $0x2  }
0x4: {  	s14 =	simm.s32 $0x3600;
	s15 =	simm.s32 $0x3;
	s16 =	simm.s32 $0x0  }
0x5: {  	s4 =	sand.u32 $0x1, s1;
	s6 =	sshrl.u32 s0, $0x3;
	s7 =	sand.u32 $0x7, s0  }
0x6: {  	s1 =	rddreg [dreg:$0x2];
	s3 =	sshll.u32 s4, $0x1;
	s9 =	smul.u32 $0x4B000, s7  }
0x7: {  	s5 =	sadd.s32 $0x800, s5;
	s7 =	smul.u32 $0x12C00, s7;
	s6 =	sor.u32 s6, s3  }
0x8: {  	s10 =	ssub.s32 $0x2, s4;
	s3 =	simm.s32 $0x0;
	s8 =	smul.u32 $0x289000, s6  }
0x9: {  	v0 =	vlaneseq.u32;
	s31 =	sshrl.u32 s10, $0x1;
	[smem:$0x7FF] =	sst s3;
	s6 =	smul.u32 $0x96000, s6  }
0xa: {  	v0 =	vmul.u32 $0x4, v0;
	s10 =	ssub.s32 s10, s31;
	_ =	strace $0x8000004A;
	s4 =	sadd.s32 s9, s8  }
0xb: {  	s6 =	sadd.s32 s7, s6;
	s9 =	sshrl.u32 s4, $0x3;
	s8 =	sadd.s32 $0x3000, s4  }
0xc: {  	v1 =	vor.u32 $0x1, v0;
	v2 =	vor.u32 $0x2, v0;
	v3 =	vor.u32 $0x3, v0;
	s7 =	sadd.s32 s5, s9;
	s9 =	smax.u32 s10, $0x1;
	s10 =	simm.s32 $0x1800  }
.LBB2_1:
0xd: {  	[tilespmem:s3], [sflag:$0x1] =	stream.linear.gather [hbm4b:s7+s3], $0x1800, $0x38;
	[tilespmem:$0x3C00] =	vst v63  }
0xe: {  	s17 =	simm.s32 $0x0  }
.LBB2_2:
0xf: {  	s18 =	sshllo.u32 s17, $0x1  }
0x10: {  	s19 =	smul.u32 $0x1800, s18;
	_ =	sdelay $0x1  }
0x11: {  	s19 =	sadd.s32 s4, s19  }
0x12: {  	s19 =	sshrl.u32 s19, $0x3  }
0x13: {  	s19 =	sadd.s32 s5, s19  }
0x14: {  	[tilespmem:s10], [sflag:$0x2] =	stream.linear.gather [hbm4b:s19+s3], $0x1800, $0x38;
	[tilespmem:$0x3C00] =	vst v63  }
0x15: {  	_ =	swait.ge [sflag:s11], $0x1800  }
0x16: {  	p0 =	seq.s32 s17, $0x0;
	[sflag:s11] =	ssyncset.done $0x0  }
0x17: {  	s19 =	simm.s32 @!p0 $0x3;
	[sflag:s11] =	ssyncadd.s32 $0xFFFFE800  }
0x18: {  	s20 =	simm.s32 $0x0;
	_ =	swait.ge @!p0 [sflag:s19], $0x600  }
0x19: {  	v4 =	vor.u32 s20, v0;
	[sflag:s19] =	ssyncset.done @!p0 $0x0  }
0x1a: {  	v5 =	vor.u32 s20, v1;
	[sflag:s19] =	ssyncadd.s32 @!p0 $0xFFFFFA00  }
0x1b: {  	v6 =	vor.u32 s20, v2;
	_ =	swait.ge @!p0 [sflag:s19], $0x600  }
0x1c: {  	v8 =	vor.u32 s20, v3;
	[sflag:s19] =	ssyncset.done @!p0 $0x0  }
0x1d: {  	[sflag:s19] =	ssyncadd.s32 @!p0 $0xFFFFFA00  }
0x1e: {  	v7 =	vld.idx.msk [tilespmem:v4+s3+$0x0], $0xffff  }
0x1f: {  	v5 =	vld.idx.msk [tilespmem:v5+s3+$0x0], $0xffff  }
0x20: {  	v9 =	vld.idx.msk [tilespmem:v6+s3+$0x0], $0xffff  }
0x21: {  	v6 =	vld.idx.msk [tilespmem:v8+s3+$0x0], $0xffff;
	_ =	sdelay $0x1  }
0x22: {  	s19 =	simm.s32 $0x40  }
0x23: {  	v4 =	vor.u32 s19, v0;
	v10 =	vshll.u32 v5, $0x8  }
0x24: {  	s21 =	simm.s32 $0x80;
	v5 =	vor.u32 s19, v1;
	v8 =	vshll.u32 v9, $0x10;
	v7 =	vor.u32 v7, v10  }
.LBB2_3:
0x25: {  	p0 =	sne.s32 s21, $0x17C0;
	v9 =	vor.u32 s19, v2;
	v7 =	vor.u32 v8, v7;
	v6 =	vshll.u32 v6, $0x18  }
0x26: {  	v8 =	vor.u32 s19, v3;
	s22 =	sshra.s32 s20, $0x2;
	s20 =	smov.u32 s19;
	s19 =	smov.u32 s21;
	v6 =	vor.u32 v6, v7  }
0x27: {  	[tilespmem:s22+$0x3000] =	vst v6  }
0x28: {  	v7 =	vld.idx.msk [tilespmem:v4+s3+$0x0], $0xffff  }
0x29: {  	v5 =	vld.idx.msk [tilespmem:v5+s3+$0x0], $0xffff  }
0x2a: {  	v9 =	vld.idx.msk [tilespmem:v9+s3+$0x0], $0xffff  }
0x2b: {  	v6 =	vld.idx.msk [tilespmem:v8+s3+$0x0], $0xffff  }
.Ltmp0:
0x2c: {  	(pc) =	sbr.rel @p0 .LBB2_3-.Ltmp0, $3  }
0x2d: {  	_ =	sdelay $0x1  }
0x2e: {  	v4 =	vor.u32 s21, v0;
	v8 =	vshll.u32 v5, $0x8  }
0x2f: {  	s21 =	sadd.s32 $0x40, s21;
	v5 =	vor.u32 s19, v1;
	v7 =	vor.u32 v7, v8;
	v8 =	vshll.u32 v9, $0x10  }
0x30: {  	_ = 	snop  }
0x31: {  	v9 =	vor.u32 s19, v2;
	v7 =	vor.u32 v8, v7;
	v6 =	vshll.u32 v6, $0x18  }
0x32: {  	v8 =	vor.u32 s19, v3;
	s20 =	sshra.s32 s20, $0x2;
	v6 =	vor.u32 v6, v7  }
0x33: {  	[tilespmem:s20+$0x3000] =	vst v6  }
0x34: {  	v4 =	vld.idx.msk [tilespmem:v4+s3+$0x0], $0xffff  }
0x35: {  	v5 =	vld.idx.msk [tilespmem:v5+s3+$0x0], $0xffff  }
0x36: {  	v6 =	vld.idx.msk [tilespmem:v9+s3+$0x0], $0xffff  }
0x37: {  	s29 =	smul.u32 $0xC00, s17;
	v7 =	vld.idx.msk [tilespmem:v8+s3+$0x0], $0xffff;
	_ =	sdelay $0x1  }
0x38: {  	s20 =	sadd.s32 s6, s29  }
0x39: {  	p0 =	seq.s32 s17, $0x18;
	s20 =	sshrl.u32 s20, $0x3;
	v5 =	vshll.u32 v5, $0x8  }
0x3a: {  	s31 =	sadd.s32 s2, s20;
	s20 =	smul.u32 @!p0 $0x3000, s17;
	v4 =	vor.u32 v4, v5;
	v5 =	vshll.u32 v6, $0x10  }
0x3b: {  	v4 =	vor.u32 v5, v4;
	v5 =	vshll.u32 v7, $0x18  }
0x3c: {  	s30 =	sshra.s32 s19, $0x2;
	s19 =	sadd.s32 @!p0 s20, s8;
	v4 =	vor.u32 v5, v4  }
0x3d: {  	s20 =	simm.s32 $0x0;
	s19 =	sshrl.u32 @!p0 s19, $0x3;
	[tilespmem:s30+$0x3000] =	vst v4  }
0x3e: {  	[hbm4b:s31+s3] =	stream.linear.scatter [tilespmem:s12], [sflag:$0x3], $0x600, $0x38;
	[tilespmem:$0x3C00] =	vst v63  }
0x3f: {  	s21 =	simm.s32 @!p0 $0x0;
	s19 =	sadd.s32 @!p0 s5, s19;
	v4 =	vor.u32 s20, v0  }
0x40: {  	v5 =	vor.u32 s20, v1;
	[tilespmem:s21], [sflag:$0x1] =	stream.linear.gather @!p0 [hbm4b:s19+s21], $0x1800, $0x38;
	[tilespmem:$0x3C00] =	vst v63  }
0x41: {  	v6 =	vor.u32 s20, v2;
	_ =	swait.ge [sflag:s13], $0x1800  }
0x42: {  	v8 =	vor.u32 s20, v3;
	[sflag:s13] =	ssyncset.done $0x0  }
0x43: {  	[sflag:s13] =	ssyncadd.s32 $0xFFFFE800  }
0x44: {  	v7 =	vld.idx.msk [tilespmem:v4+s10+$0x0], $0xffff  }
0x45: {  	v5 =	vld.idx.msk [tilespmem:v5+s10+$0x0], $0xffff  }
0x46: {  	v9 =	vld.idx.msk [tilespmem:v6+s10+$0x0], $0xffff  }
0x47: {  	v6 =	vld.idx.msk [tilespmem:v8+s10+$0x0], $0xffff;
	_ =	sdelay $0x1  }
0x48: {  	s19 =	simm.s32 $0x40  }
0x49: {  	v4 =	vor.u32 s19, v0;
	v10 =	vshll.u32 v5, $0x8  }
0x4a: {  	s21 =	simm.s32 $0x80;
	v5 =	vor.u32 s19, v1;
	v8 =	vshll.u32 v9, $0x10;
	v7 =	vor.u32 v7, v10  }
.LBB2_5:
0x4b: {  	p0 =	sne.s32 s21, $0x17C0;
	v9 =	vor.u32 s19, v2;
	v7 =	vor.u32 v8, v7;
	v6 =	vshll.u32 v6, $0x18  }
0x4c: {  	v8 =	vor.u32 s19, v3;
	s22 =	sshra.s32 s20, $0x2;
	s20 =	smov.u32 s19;
	s19 =	smov.u32 s21;
	v6 =	vor.u32 v6, v7  }
0x4d: {  	[tilespmem:s22+$0x3600] =	vst v6  }
0x4e: {  	v7 =	vld.idx.msk [tilespmem:v4+s10+$0x0], $0xffff  }
0x4f: {  	v5 =	vld.idx.msk [tilespmem:v5+s10+$0x0], $0xffff  }
0x50: {  	v9 =	vld.idx.msk [tilespmem:v9+s10+$0x0], $0xffff  }
0x51: {  	v6 =	vld.idx.msk [tilespmem:v8+s10+$0x0], $0xffff  }
.Ltmp1:
0x52: {  	(pc) =	sbr.rel @p0 .LBB2_5-.Ltmp1, $3  }
0x53: {  	_ =	sdelay $0x1  }
0x54: {  	v4 =	vor.u32 s21, v0;
	v8 =	vshll.u32 v5, $0x8  }
0x55: {  	s21 =	sadd.s32 $0x40, s21;
	v5 =	vor.u32 s19, v1;
	v7 =	vor.u32 v7, v8;
	v8 =	vshll.u32 v9, $0x10  }
0x56: {  	_ = 	snop  }
0x57: {  	v9 =	vor.u32 s19, v2;
	v7 =	vor.u32 v8, v7;
	v6 =	vshll.u32 v6, $0x18  }
0x58: {  	v62 =	vor.u32 s19, v3;
	s20 =	sshra.s32 s20, $0x2;
	v6 =	vor.u32 v6, v7  }
0x59: {  	[tilespmem:s20+$0x3600] =	vst v6  }
0x5a: {  	v4 =	vld.idx.msk [tilespmem:v4+s10+$0x0], $0xffff  }
0x5b: {  	v5 =	vld.idx.msk [tilespmem:v5+s10+$0x0], $0xffff  }
0x5c: {  	v6 =	vld.idx.msk [tilespmem:v9+s10+$0x0], $0xffff  }
0x5d: {  	v63 =	vld.idx.msk [tilespmem:v62+s10+$0x0], $0xffff;
	_ =	sdelay $0x1  }
0x5e: {  	s17 =	sadd.s32 $0x1, s17  }
0x5f: {  	s18 =	smul.u32 $0x600, s18;
	p0 =	sne.s32 s17, $0x19;
	v5 =	vshll.u32 v5, $0x8  }
.Ltmp2:
0x60: {  	v4 =	vor.u32 v4, v5;
	v5 =	vshll.u32 v6, $0x10;
	(pc) =	sbr.rel @p0 .LBB2_2-.Ltmp2, $4  }
0x61: {  	s18 =	sadd.s32 s6, s18;
	v4 =	vor.u32 v5, v4;
	v5 =	vshll.u32 v63, $0x18  }
0x62: {  	s31 =	sshra.s32 s19, $0x2;
	s18 =	sshrl.u32 s18, $0x3;
	v4 =	vor.u32 v5, v4  }
0x63: {  	s18 =	sadd.s32 s2, s18;
	[tilespmem:s31+$0x3600] =	vst v4  }
0x64: {  	[hbm4b:s18+s3] =	stream.linear.scatter [tilespmem:s14], [sflag:$0x3], $0x600, $0x38;
	[tilespmem:$0x3C00] =	vst v63  }
0x65: {  	s16 =	sadd.s32 $0x1, s16  }
0x66: {  	_ =	swait.ge [sflag:s15], $0x600;
	p0 =	sne.s32 s16, s9  }
.Ltmp3:
0x67: {  	[sflag:s15] =	ssyncset.done $0x0;
	(pc) =	sbr.rel @p0 .LBB2_1-.Ltmp3, $4  }
0x68: {  	[sflag:s15] =	ssyncadd.s32 $0xFFFFFA00  }
0x69: {  	_ =	swait.ge [sflag:s15], $0x600  }
0x6a: {  	[sflag:s15] =	ssyncset.done $0x0  }
0x6b: {  	[sflag:s15] =	ssyncadd.s32 $0xFFFFFA00  }
0x6c: {  	_ =	sfence.sel $0x180000  }
0x6d: {  	[bflag:$0x0] =	sbarrier.arrive $0xFFFF  }
0x6e: {  	p0 =	sne.s32 s0, $0x0;
	_ =	strace $0x9000004A  }
0x6f: {  	s0 =	sadd.s32 @!p0 $0x100000, s1;
	[bflag:$0x2] =	sbarrier.arrive $0xFFFF  }
0x70: {  	[sflag:s0] =	ssyncadd.tile.s32 @!p0 $0x1;
	_ =	shalt  }
.Lfunc_end2:
_tile_overlayer_lowered:
.L_overlay_start_2:
0x71: {  	(tag) =	ssettag $0x2  }
0x72: {  	s0 =	rddreg [dreg:$0x0];
	s2 =	stileid.u32  }
0x73: {  	s1 =	rddreg [dreg:$0x1];
	p0 =	sne.s32 s2, $0x0  }
0x74: {  	s3 =	rddreg [dreg:$0x2];
	[bflag:$0x3] =	sbarrier.arrive $0xFFFF;
	s2 =	simm.s32 @!p0 $0x1C04  }
0x75: {  	[timem:s3], [sflag:s2] =	dma.local @!p0 [hbm:s0], s1  }
0x76: {  	s0 =	simm.s32 @!p0 $0x4  }
0x77: {  	_ =	swait.ge @!p0 [sflag:s0], s1  }
0x78: {  	s1 =	ssub.s32 @!p0 $0x0, s1;
	[sflag:s0] =	ssyncset.done @!p0 $0x0  }
0x79: {  	[sflag:s0] =	ssyncadd.s32 @!p0 s1  }
0x7a: {  	[bflag:$0x3] =	sbarrier.arrive $0xFFFF  }
0x7b: {  	_ =	shalt  }

</sc_bundles>
